<compile_context>
chip_gen: v7x
topology: tpu7x:2x2x1
jax: 0.10.2.dev20260603
libtpu: 0.0.44.dev20260713+nightly
codegen_flags: <defaults>
</compile_context>

<pallas_src>
import functools

import jax
import jax.numpy as jnp
from jax import lax
from jax.experimental import pallas as pl
from jax.experimental.pallas import tpu as pltpu
from jax.experimental.pallas import tpu_sc as plsc

N = 10000
E = 320000
D = 128

NC = 2
NS = 16
NW = NC * NS
NPAD = 10240
NPT = NPAD // NS
KE = 80
EPW = E // NW
CPW = EPW // KE
CPWP = 136
HB = 64
ISB = 72

_mesh = plsc.VectorSubcoreMesh(core_axis_name="c", subcore_axis_name="s")


@functools.partial(
    pl.kernel,
    out_type=jax.ShapeDtypeStruct((2 * NPAD,), jnp.float32),
    mesh=_mesh,
    scratch_types=[
        pltpu.VMEM((CPWP, KE), jnp.int32),
        pltpu.VMEM((KE,), jnp.float32),
        pltpu.VMEM_SHARED((NPAD,), jnp.float32),
        pltpu.SemaphoreType.DMA,
        pltpu.SemaphoreType.DMA,
    ],
)
def _deg(edge_hbm, ones_hbm, zeros_hbm, ones1_hbm, deg_out,
         idx_d, ones_v, deg_sh, sem0, sem1):
    c = lax.axis_index("c")
    s = lax.axis_index("s")
    wid = s * NC + c

    @pl.when(c == 0)
    def _():
        pltpu.sync_copy(ones_hbm, deg_sh.at[pl.ds(s * NPT, NPT)])

    @pl.when(c == 1)
    def _():
        pltpu.sync_copy(zeros_hbm, deg_sh.at[pl.ds(s * NPT, NPT)])

    pltpu.sync_copy(ones1_hbm, ones_v)
    pltpu.sync_copy(edge_hbm.at[1, wid], idx_d)
    plsc.subcore_barrier()

    sems = (sem0, sem1)

    def body(j, carry):
        for p in range(2):
            i = j * 2 + p
            pltpu.async_copy(ones_v, deg_sh.at[idx_d.at[i]], sems[p],
                             add=True)
        for p in range(2):
            i = j * 2 + p
            pltpu.make_async_copy(ones_v, deg_sh.at[idx_d.at[i]],
                                  sems[p]).wait()
        return carry

    lax.fori_loop(0, CPW // 2, body, 0)
    pltpu.sync_copy(ones_v, deg_sh.at[idx_d.at[CPW - 1]], add=True)
    plsc.subcore_barrier()

    pltpu.sync_copy(deg_sh.at[pl.ds(s * NPT, NPT)],
                    deg_out.at[pl.ds(c * NPAD + s * NPT, NPT)])


@functools.partial(
    pl.kernel,
    out_type=jax.ShapeDtypeStruct((2 * NPAD, D), jnp.float32),
    mesh=_mesh,
    scratch_types=[
        pltpu.VMEM((ISB, KE), jnp.int32),
        pltpu.VMEM((HB, KE), jnp.int32),
        pltpu.VMEM((KE, D), jnp.float32),
        pltpu.VMEM((KE, D), jnp.float32),
        pltpu.VMEM((KE, D), jnp.float32),
        pltpu.VMEM_SHARED((NPAD, D), jnp.float32),
        pltpu.SemaphoreType.DMA,
        pltpu.SemaphoreType.DMA,
        pltpu.SemaphoreType.DMA,
    ],
)
def _agg(hp_hbm, edge_hbm, zrows_hbm, acc_out,
         idx_s, idx_d, rows0, rows1, rows2, acc_sh, sem0, sem1, sem2):
    c = lax.axis_index("c")
    s = lax.axis_index("s")
    wid = s * NC + c

    @pl.when(c == 0)
    def _():
        pltpu.sync_copy(hp_hbm.at[pl.ds(s * NPT, NPT)],
                        acc_sh.at[pl.ds(s * NPT, NPT)])

    @pl.when(c == 1)
    def _():
        pltpu.sync_copy(zrows_hbm, acc_sh.at[pl.ds(s * NPT, NPT)])

    pltpu.sync_copy(edge_hbm.at[0, wid, pl.ds(0, ISB)], idx_s)
    pltpu.sync_copy(edge_hbm.at[1, wid, pl.ds(0, HB)], idx_d)
    plsc.subcore_barrier()

    bufs = (rows0, rows1, rows2)
    sems = (sem0, sem1, sem2)

    def start_g(l, p):
        pltpu.async_copy(hp_hbm.at[idx_s.at[l]], bufs[p], sems[p])

    def wait_g(l, p):
        pltpu.make_async_copy(hp_hbm.at[idx_s.at[l]], bufs[p], sems[p]).wait()

    for p in range(3):
        start_g(p, p)

    def body0(j, carry):
        for p in range(3):
            i = j * 3 + p

            @pl.when(i < HB)
            def _(i=i, p=p):
                wait_g(i, p)
                pltpu.sync_copy(bufs[p], acc_sh.at[idx_d.at[i]], add=True)
                start_g(i + 3, p)
        return carry

    lax.fori_loop(0, (HB + 2 + 2) // 3, body0, 0)

    for k in (HB, HB + 1, HB + 2):
        wait_g(k, k % 3)
    pltpu.sync_copy(edge_hbm.at[1, wid, pl.ds(HB, HB)], idx_d)
    pltpu.sync_copy(edge_hbm.at[0, wid, pl.ds(HB, ISB)], idx_s)
    for k in (HB, HB + 1, HB + 2):
        pltpu.sync_copy(bufs[k % 3], acc_sh.at[idx_d.at[k - HB]], add=True)
        start_g(k + 3 - HB, k % 3)

    def body1(j, carry):
        for p in range(3):
            i = HB + 3 + j * 3 + p
            b = (HB + 3 + p) % 3

            @pl.when(i < CPW)
            def _(i=i, b=b):
                wait_g(i - HB, b)
                pltpu.sync_copy(bufs[b], acc_sh.at[idx_d.at[i - HB]],
                                add=True)

                @pl.when(i + 3 < CPW)
                def _(i=i, b=b):
                    start_g(i + 3 - HB, b)
        return carry

    lax.fori_loop(0, (CPW - HB - 3 + 2) // 3, body1, 0)
    plsc.subcore_barrier()

    pltpu.sync_copy(acc_sh.at[pl.ds(s * NPT, NPT)],
                    acc_out.at[pl.ds(c * NPAD + s * NPT, NPT)])


def _scale_body(x_ref, w_ref, d0_ref, d1_ref, hp_ref, dinv_ref):
    h = jnp.dot(x_ref[...], w_ref[...], preferred_element_type=jnp.float32)
    dinv = lax.rsqrt(d0_ref[...] + d1_ref[...])
    hp_ref[...] = h * dinv
    dinv_ref[...] = dinv


_NBLK = NPAD // 1024


_RB = 1024


def _scale(x, w, deg_col):
    return pl.pallas_call(
        _scale_body,
        grid=(NPAD // _RB,),
        in_specs=[
            pl.BlockSpec((_RB, D), lambda i: (i, 0)),
            pl.BlockSpec((D, D), lambda i: (0, 0)),
            pl.BlockSpec((_RB, 1), lambda i: (i, 0)),
            pl.BlockSpec((_RB, 1), lambda i: (_NBLK + i, 0)),
        ],
        out_specs=[
            pl.BlockSpec((_RB, D), lambda i: (i, 0)),
            pl.BlockSpec((_RB, 1), lambda i: (i, 0)),
        ],
        out_shape=[
            jax.ShapeDtypeStruct((NPAD, D), jnp.float32),
            jax.ShapeDtypeStruct((NPAD, 1), jnp.float32),
        ],
    )(x, w, deg_col, deg_col)


def _combine_body(a0_ref, a1_ref, dinv_ref, out_ref):
    out_ref[...] = dinv_ref[...] * (a0_ref[...] + a1_ref[...])


def _combine(acc_flat, dinv):
    return pl.pallas_call(
        _combine_body,
        grid=(NPAD // _RB,),
        in_specs=[
            pl.BlockSpec((_RB, D), lambda i: (i, 0)),
            pl.BlockSpec((_RB, D), lambda i: (_NBLK + i, 0)),
            pl.BlockSpec((_RB, 1), lambda i: (i, 0)),
        ],
        out_specs=pl.BlockSpec((_RB, D), lambda i: (i, 0)),
        out_shape=jax.ShapeDtypeStruct((NPAD, D), jnp.float32),
    )(acc_flat, acc_flat, dinv)


def kernel(node_feature, edge_index, W):
    edge4 = jnp.pad(edge_index.reshape(2, NW, CPW, KE),
                    ((0, 0), (0, 0), (0, CPWP - CPW), (0, 0)))

    ones_s = jnp.ones((NPT,), jnp.float32)
    zeros_s = jnp.zeros((NPT,), jnp.float32)
    ones1_s = jnp.ones((KE,), jnp.float32)
    zrows_s = jnp.zeros((NPT, D), jnp.float32)

    deg_col = _deg(edge4, ones_s, zeros_s, ones1_s).reshape(2 * NPAD, 1)

    x_pad = jnp.pad(node_feature, ((0, NPAD - N), (0, 0)))
    hp, dinv = _scale(x_pad, W, deg_col)

    acc_flat = _agg(hp, edge4, zrows_s)
    out = _combine(acc_flat, dinv)
    return out[:N]

# --- scband reference (transcript-rebuilt; emitter-appended) ---
"""Pipeline reference for scband-gcnconv-19731079758618 (READ-ONLY COPY).

The authoritative reference and input builder live on the scoring server;
editing this copy changes nothing except your own understanding.
"""

import jax, jax.numpy as jnp
import numpy as np

N_NODES = 10000
N_EDGES = 320000
DIM_IN = 128
DIM_OUT = 128


def setup_inputs(seed: int = 0) -> dict:
    key = jax.random.key(seed)
    k1, k2, k3 = jax.random.split(key, 3)
    node_feature = jax.random.normal(k1, (N_NODES, DIM_IN), dtype=jnp.float32)
    edge_index = jax.random.randint(k2, (2, N_EDGES), 0, N_NODES, dtype=jnp.int32)
    # GCNConv linear weight (glorot-style init), bias=False
    W = jax.random.normal(k3, (DIM_IN, DIM_OUT), dtype=jnp.float32) * (1.0 / np.sqrt(DIM_IN))
    return {"node_feature": node_feature, "edge_index": edge_index, "W": W}


def reference(node_feature, edge_index, W):
    # Faithful PyG GCNConv: add self-loops, symmetric normalization D^{-1/2} A D^{-1/2},
    # linear transform, then normalized scatter-add aggregation. bias=False.
    n = node_feature.shape[0]
    src = edge_index[0]
    dst = edge_index[1]
    loop = jnp.arange(n, dtype=edge_index.dtype)
    src = jnp.concatenate([src, loop])
    dst = jnp.concatenate([dst, loop])
    # degree computed on destination nodes with edge weight 1 (incl. self-loops)
    deg = jnp.zeros((n,), dtype=jnp.float32).at[dst].add(1.0)
    deg_inv_sqrt = jnp.where(deg > 0, jax.lax.rsqrt(jnp.maximum(deg, 1e-12)), 0.0)
    norm = deg_inv_sqrt[src] * deg_inv_sqrt[dst]
    h = node_feature @ W
    msg = h[src] * norm[:, None]
    out = jax.ops.segment_sum(msg, dst, num_segments=n)
    return out

if __name__ == "__main__":
    import jax
    _d = setup_inputs()
    print(jax.jit(kernel)(*tuple(_d.values())))

</pallas_src>

<mosaic_0001>
#map = affine_map<(d0, d1) -> (0, 0, 0, 0)>
#map1 = affine_map<(d0, d1) -> (0)>
module attributes {stable_mosaic.version = 14 : i64} {
  func.func @_deg(%arg0: i32, %arg1: i32, %arg2: memref<2x32x136x80xi32, #tpu.memory_space<hbm>>, %arg3: memref<640xf32, #tpu.memory_space<hbm>>, %arg4: memref<640xf32, #tpu.memory_space<hbm>>, %arg5: memref<80xf32, #tpu.memory_space<hbm>>, %arg6: memref<20480xf32, #tpu.memory_space<hbm>>, %arg7: memref<136x80xi32, #tpu.memory_space<vmem>>, %arg8: memref<80xf32, #tpu.memory_space<vmem>>, %arg9: memref<10240xf32, #tpu.memory_space<vmem_shared>>, %arg10: memref<!tpu.dma_semaphore, #tpu.memory_space<semaphore_mem>>, %arg11: memref<!tpu.dma_semaphore, #tpu.memory_space<semaphore_mem>>) attributes {dimension_semantics = [#tpu.dimension_semantics<core_parallel>, #tpu.dimension_semantics<subcore_parallel>], iteration_bounds = array<i64: 2, 16>, scalar_prefetch = 0 : i64, scratch_operands = 5 : i64, tpu.core_type = #tpu.core_type<sc_vector_subcore>, window_params = [{transform_indices = #map}, {transform_indices = #map1}, {transform_indices = #map1}, {transform_indices = #map1}, {transform_indices = #map1}]} {
    %mul3A = arith.constant 2 : i32
    %mul3A_0 = arith.muli %arg1, %mul3A : i32
    %add3A = arith.addi %mul3A_0, %arg0 : i32
    %eq3A = arith.constant 0 : i32
    %eq3A_1 = arith.cmpi eq, %arg0, %eq3A : i32
    %convert_element_type3A = arith.extui %eq3A_1 : i1 to i32
    %cond3A = arith.constant 0 : i32
    %cond3A_2 = arith.cmpi ne, %convert_element_type3A, %cond3A : i32
    scf.if %cond3A_2 {
      %mul3A_22 = arith.constant 640 : i32
      %mul3A_23 = arith.muli %arg1, %mul3A_22 : i32
      "tpu.region"() ({
        %run_scoped3A_24 = tpu.sem_alloc : memref<!tpu.dma_semaphore, #tpu.memory_space<semaphore_mem>>
        %dma_start3A = tpu.memref_slice %arg9[%mul3A_23] : memref<10240xf32, #tpu.memory_space<vmem_shared>> -> memref<640xf32, #tpu.memory_space<vmem_shared>>
        tpu.enqueue_dma source(%arg3 : memref<640xf32, #tpu.memory_space<hbm>>) target(%dma_start3A : memref<640xf32, #tpu.memory_space<vmem_shared>>) target_semaphore(%run_scoped3A_24 : memref<!tpu.dma_semaphore, #tpu.memory_space<semaphore_mem>>)
        %dma_wait3A = tpu.memref_slice %arg9[%mul3A_23] : memref<10240xf32, #tpu.memory_space<vmem_shared>> -> memref<640xf32, #tpu.memory_space<vmem_shared>>
        tpu.wait_dma2 semaphore(%run_scoped3A_24 : memref<!tpu.dma_semaphore, #tpu.memory_space<semaphore_mem>>) src(%arg3 : memref<640xf32, #tpu.memory_space<hbm>>) dst(%dma_wait3A : memref<640xf32, #tpu.memory_space<vmem_shared>>)
        tpu.yield
      }) : () -> ()
    } else {
    }
    %eq3A_3 = arith.constant 1 : i32
    %eq3A_4 = arith.cmpi eq, %arg0, %eq3A_3 : i32
    %convert_element_type3A_5 = arith.extui %eq3A_4 : i1 to i32
    %cond3A_6 = arith.constant 0 : i32
    %cond3A_7 = arith.cmpi ne, %convert_element_type3A_5, %cond3A_6 : i32
    scf.if %cond3A_7 {
      %mul3A_22 = arith.constant 640 : i32
      %mul3A_23 = arith.muli %arg1, %mul3A_22 : i32
      "tpu.region"() ({
        %run_scoped3A_24 = tpu.sem_alloc : memref<!tpu.dma_semaphore, #tpu.memory_space<semaphore_mem>>
        %dma_start3A = tpu.memref_slice %arg9[%mul3A_23] : memref<10240xf32, #tpu.memory_space<vmem_shared>> -> memref<640xf32, #tpu.memory_space<vmem_shared>>
        tpu.enqueue_dma source(%arg4 : memref<640xf32, #tpu.memory_space<hbm>>) target(%dma_start3A : memref<640xf32, #tpu.memory_space<vmem_shared>>) target_semaphore(%run_scoped3A_24 : memref<!tpu.dma_semaphore, #tpu.memory_space<semaphore_mem>>)
        %dma_wait3A = tpu.memref_slice %arg9[%mul3A_23] : memref<10240xf32, #tpu.memory_space<vmem_shared>> -> memref<640xf32, #tpu.memory_space<vmem_shared>>
        tpu.wait_dma2 semaphore(%run_scoped3A_24 : memref<!tpu.dma_semaphore, #tpu.memory_space<semaphore_mem>>) src(%arg4 : memref<640xf32, #tpu.memory_space<hbm>>) dst(%dma_wait3A : memref<640xf32, #tpu.memory_space<vmem_shared>>)
        tpu.yield
      }) : () -> ()
    } else {
    }
    "tpu.region"() ({
      %run_scoped3A_22 = tpu.sem_alloc : memref<!tpu.dma_semaphore, #tpu.memory_space<semaphore_mem>>
      tpu.enqueue_dma source(%arg5 : memref<80xf32, #tpu.memory_space<hbm>>) target(%arg8 : memref<80xf32, #tpu.memory_space<vmem>>) target_semaphore(%run_scoped3A_22 : memref<!tpu.dma_semaphore, #tpu.memory_space<semaphore_mem>>)
      tpu.wait_dma2 semaphore(%run_scoped3A_22 : memref<!tpu.dma_semaphore, #tpu.memory_space<semaphore_mem>>) src(%arg5 : memref<80xf32, #tpu.memory_space<hbm>>) dst(%arg8 : memref<80xf32, #tpu.memory_space<vmem>>)
      tpu.yield
    }) : () -> ()
    %run_scoped3A = arith.constant 1 : i32
    "tpu.region"() ({
      %run_scoped3A_22 = tpu.sem_alloc : memref<!tpu.dma_semaphore, #tpu.memory_space<semaphore_mem>>
      %dma_start3A = arith.constant 0 : i32
      %dma_start3A_23 = arith.constant 0 : i32
      %dma_start3A_24 = tpu.memref_slice %arg2[%run_scoped3A, %add3A, %dma_start3A, %dma_start3A_23] : memref<2x32x136x80xi32, #tpu.memory_space<hbm>> -> memref<1x1x136x80xi32, #tpu.memory_space<hbm>>
      %dma_start3A_25 = tpu.memref_squeeze %dma_start3A_24 : memref<1x1x136x80xi32, #tpu.memory_space<hbm>> -> memref<136x80xi32, #tpu.memory_space<hbm>>
      %dma_start3A_26 = arith.constant 0 : i32
      %dma_start3A_27 = arith.constant 0 : i32
      %dma_start3A_28 = tpu.memref_slice %arg2[%run_scoped3A, %add3A, %dma_start3A_26, %dma_start3A_27] : memref<2x32x136x80xi32, #tpu.memory_space<hbm>> -> memref<1x1x136x80xi32, #tpu.memory_space<hbm>>
      %dma_start3A_29 = tpu.memref_squeeze %dma_start3A_28 : memref<1x1x136x80xi32, #tpu.memory_space<hbm>> -> memref<136x80xi32, #tpu.memory_space<hbm>>
      tpu.enqueue_dma source(%dma_start3A_29 : memref<136x80xi32, #tpu.memory_space<hbm>>) target(%arg7 : memref<136x80xi32, #tpu.memory_space<vmem>>) target_semaphore(%run_scoped3A_22 : memref<!tpu.dma_semaphore, #tpu.memory_space<semaphore_mem>>)
      %dma_wait3A = arith.constant 0 : i32
      %dma_wait3A_30 = arith.constant 0 : i32
      %dma_wait3A_31 = tpu.memref_slice %arg2[%run_scoped3A, %add3A, %dma_wait3A, %dma_wait3A_30] : memref<2x32x136x80xi32, #tpu.memory_space<hbm>> -> memref<1x1x136x80xi32, #tpu.memory_space<hbm>>
      %dma_wait3A_32 = tpu.memref_squeeze %dma_wait3A_31 : memref<1x1x136x80xi32, #tpu.memory_space<hbm>> -> memref<136x80xi32, #tpu.memory_space<hbm>>
      %dma_wait3A_33 = arith.constant 0 : i32
      %dma_wait3A_34 = arith.constant 0 : i32
      %dma_wait3A_35 = tpu.memref_slice %arg2[%run_scoped3A, %add3A, %dma_wait3A_33, %dma_wait3A_34] : memref<2x32x136x80xi32, #tpu.memory_space<hbm>> -> memref<1x1x136x80xi32, #tpu.memory_space<hbm>>
      %dma_wait3A_36 = tpu.memref_squeeze %dma_wait3A_35 : memref<1x1x136x80xi32, #tpu.memory_space<hbm>> -> memref<136x80xi32, #tpu.memory_space<hbm>>
      tpu.wait_dma2 semaphore(%run_scoped3A_22 : memref<!tpu.dma_semaphore, #tpu.memory_space<semaphore_mem>>) src(%dma_wait3A_36 : memref<136x80xi32, #tpu.memory_space<hbm>>) dst(%arg7 : memref<136x80xi32, #tpu.memory_space<vmem>>)
      tpu.yield
    }) : () -> ()
    %barrier3A = arith.constant 0 : index
    tpu.barrier barrier_id(%barrier3A)
    %scan3A = arith.constant 0 : i32
    %scan3A_8 = arith.constant 0 : i32
    %scan3A_9 = arith.constant 62 : i32
    %scan3A_10 = arith.addi %scan3A_8, %scan3A_9 : i32
    %scan3A_11 = arith.constant 1 : i32
    scf.for %scan3A_22 = %scan3A_8 to %scan3A_10 step %scan3A_11  : i32 {
      %mul3A_23 = arith.constant 2 : i32
      %mul3A_24 = arith.muli %scan3A_22, %mul3A_23 : i32
      %add3A_25 = arith.constant 0 : i32
      %add3A_26 = arith.addi %mul3A_24, %add3A_25 : i32
      %dma_start3A = arith.constant 0 : i32
      %dma_start3A_27 = tpu.memref_slice %arg7[%add3A_26, %dma_start3A] : memref<136x80xi32, #tpu.memory_space<vmem>> -> memref<1x80xi32, #tpu.memory_space<vmem>>
      %dma_start3A_28 = tpu.memref_squeeze %dma_start3A_27 : memref<1x80xi32, #tpu.memory_space<vmem>> -> memref<80xi32, #tpu.memory_space<vmem>>
      %dma_start3A_29 = arith.constant 0 : i32
      %dma_start3A_30 = tpu.memref_slice %arg9[%dma_start3A_29] : memref<10240xf32, #tpu.memory_space<vmem_shared>> -> memref<10240xf32, #tpu.memory_space<vmem_shared>>
      tpu.enqueue_indirect_dma source(%arg8 : memref<80xf32, #tpu.memory_space<vmem>>) target(%dma_start3A_30 : memref<10240xf32, #tpu.memory_space<vmem_shared>>) offsets(%dma_start3A_28 : memref<80xi32, #tpu.memory_space<vmem>>) semaphore(%arg10 : memref<!tpu.dma_semaphore, #tpu.memory_space<semaphore_mem>>) {add = true}
      %mul3A_31 = arith.constant 2 : i32
      %mul3A_32 = arith.muli %scan3A_22, %mul3A_31 : i32
      %add3A_33 = arith.constant 1 : i32
      %add3A_34 = arith.addi %mul3A_32, %add3A_33 : i32
      %dma_start3A_35 = arith.constant 0 : i32
      %dma_start3A_36 = tpu.memref_slice %arg7[%add3A_34, %dma_start3A_35] : memref<136x80xi32, #tpu.memory_space<vmem>> -> memref<1x80xi32, #tpu.memory_space<vmem>>
      %dma_start3A_37 = tpu.memref_squeeze %dma_start3A_36 : memref<1x80xi32, #tpu.memory_space<vmem>> -> memref<80xi32, #tpu.memory_space<vmem>>
      %dma_start3A_38 = arith.constant 0 : i32
      %dma_start3A_39 = tpu.memref_slice %arg9[%dma_start3A_38] : memref<10240xf32, #tpu.memory_space<vmem_shared>> -> memref<10240xf32, #tpu.memory_space<vmem_shared>>
      tpu.enqueue_indirect_dma source(%arg8 : memref<80xf32, #tpu.memory_space<vmem>>) target(%dma_start3A_39 : memref<10240xf32, #tpu.memory_space<vmem_shared>>) offsets(%dma_start3A_37 : memref<80xi32, #tpu.memory_space<vmem>>) semaphore(%arg11 : memref<!tpu.dma_semaphore, #tpu.memory_space<semaphore_mem>>) {add = true}
      %mul3A_40 = arith.constant 2 : i32
      %mul3A_41 = arith.muli %scan3A_22, %mul3A_40 : i32
      %add3A_42 = arith.constant 0 : i32
      %add3A_43 = arith.addi %mul3A_41, %add3A_42 : i32
      %dma_wait3A = arith.constant 0 : i32
      %dma_wait3A_44 = tpu.memref_slice %arg7[%add3A_43, %dma_wait3A] : memref<136x80xi32, #tpu.memory_space<vmem>> -> memref<1x80xi32, #tpu.memory_space<vmem>>
      %dma_wait3A_45 = tpu.memref_squeeze %dma_wait3A_44 : memref<1x80xi32, #tpu.memory_space<vmem>> -> memref<80xi32, #tpu.memory_space<vmem>>
      %dma_wait3A_46 = arith.constant 0 : i32
      %dma_wait3A_47 = tpu.memref_slice %arg9[%dma_wait3A_46] : memref<10240xf32, #tpu.memory_space<vmem_shared>> -> memref<10240xf32, #tpu.memory_space<vmem_shared>>
      tpu.wait_indirect_dma semaphore(%arg10 : memref<!tpu.dma_semaphore, #tpu.memory_space<semaphore_mem>>) src(%arg8 : memref<80xf32, #tpu.memory_space<vmem>>) dst(%dma_wait3A_47 : memref<10240xf32, #tpu.memory_space<vmem_shared>>)
      %mul3A_48 = arith.constant 2 : i32
      %mul3A_49 = arith.muli %scan3A_22, %mul3A_48 : i32
      %add3A_50 = arith.constant 1 : i32
      %add3A_51 = arith.addi %mul3A_49, %add3A_50 : i32
      %dma_wait3A_52 = arith.constant 0 : i32
      %dma_wait3A_53 = tpu.memref_slice %arg7[%add3A_51, %dma_wait3A_52] : memref<136x80xi32, #tpu.memory_space<vmem>> -> memref<1x80xi32, #tpu.memory_space<vmem>>
      %dma_wait3A_54 = tpu.memref_squeeze %dma_wait3A_53 : memref<1x80xi32, #tpu.memory_space<vmem>> -> memref<80xi32, #tpu.memory_space<vmem>>
      %dma_wait3A_55 = arith.constant 0 : i32
      %dma_wait3A_56 = tpu.memref_slice %arg9[%dma_wait3A_55] : memref<10240xf32, #tpu.memory_space<vmem_shared>> -> memref<10240xf32, #tpu.memory_space<vmem_shared>>
      tpu.wait_indirect_dma semaphore(%arg11 : memref<!tpu.dma_semaphore, #tpu.memory_space<semaphore_mem>>) src(%arg8 : memref<80xf32, #tpu.memory_space<vmem>>) dst(%dma_wait3A_56 : memref<10240xf32, #tpu.memory_space<vmem_shared>>)
    }
    %scan3A_12 = arith.constant 62 : i32
    %run_scoped3A_13 = arith.constant 124 : i32
    "tpu.region"() ({
      %run_scoped3A_22 = tpu.sem_alloc : memref<!tpu.dma_semaphore, #tpu.memory_space<semaphore_mem>>
      %dma_start3A = arith.constant 0 : i32
      %dma_start3A_23 = tpu.memref_slice %arg7[%run_scoped3A_13, %dma_start3A] : memref<136x80xi32, #tpu.memory_space<vmem>> -> memref<1x80xi32, #tpu.memory_space<vmem>>
      %dma_start3A_24 = tpu.memref_squeeze %dma_start3A_23 : memref<1x80xi32, #tpu.memory_space<vmem>> -> memref<80xi32, #tpu.memory_space<vmem>>
      %dma_start3A_25 = arith.constant 0 : i32
      %dma_start3A_26 = tpu.memref_slice %arg9[%dma_start3A_25] : memref<10240xf32, #tpu.memory_space<vmem_shared>> -> memref<10240xf32, #tpu.memory_space<vmem_shared>>
      tpu.enqueue_indirect_dma source(%arg8 : memref<80xf32, #tpu.memory_space<vmem>>) target(%dma_start3A_26 : memref<10240xf32, #tpu.memory_space<vmem_shared>>) offsets(%dma_start3A_24 : memref<80xi32, #tpu.memory_space<vmem>>) semaphore(%run_scoped3A_22 : memref<!tpu.dma_semaphore, #tpu.memory_space<semaphore_mem>>) {add = true}
      %dma_wait3A = arith.constant 0 : i32
      %dma_wait3A_27 = tpu.memref_slice %arg7[%run_scoped3A_13, %dma_wait3A] : memref<136x80xi32, #tpu.memory_space<vmem>> -> memref<1x80xi32, #tpu.memory_space<vmem>>
      %dma_wait3A_28 = tpu.memref_squeeze %dma_wait3A_27 : memref<1x80xi32, #tpu.memory_space<vmem>> -> memref<80xi32, #tpu.memory_space<vmem>>
      %dma_wait3A_29 = arith.constant 0 : i32
      %dma_wait3A_30 = tpu.memref_slice %arg9[%dma_wait3A_29] : memref<10240xf32, #tpu.memory_space<vmem_shared>> -> memref<10240xf32, #tpu.memory_space<vmem_shared>>
      tpu.wait_indirect_dma semaphore(%run_scoped3A_22 : memref<!tpu.dma_semaphore, #tpu.memory_space<semaphore_mem>>) src(%arg8 : memref<80xf32, #tpu.memory_space<vmem>>) dst(%dma_wait3A_30 : memref<10240xf32, #tpu.memory_space<vmem_shared>>)
      tpu.yield
    }) : () -> ()
    %barrier3A_14 = arith.constant 0 : index
    tpu.barrier barrier_id(%barrier3A_14)
    %mul3A_15 = arith.constant 640 : i32
    %mul3A_16 = arith.muli %arg1, %mul3A_15 : i32
    %mul3A_17 = arith.constant 10240 : i32
    %mul3A_18 = arith.muli %arg0, %mul3A_17 : i32
    %mul3A_19 = arith.constant 640 : i32
    %mul3A_20 = arith.muli %arg1, %mul3A_19 : i32
    %add3A_21 = arith.addi %mul3A_18, %mul3A_20 : i32
    "tpu.region"() ({
      %run_scoped3A_22 = tpu.sem_alloc : memref<!tpu.dma_semaphore, #tpu.memory_space<semaphore_mem>>
      %dma_start3A = tpu.memref_slice %arg6[%add3A_21] : memref<20480xf32, #tpu.memory_space<hbm>> -> memref<640xf32, #tpu.memory_space<hbm>>
      %dma_start3A_23 = tpu.memref_slice %arg9[%mul3A_16] : memref<10240xf32, #tpu.memory_space<vmem_shared>> -> memref<640xf32, #tpu.memory_space<vmem_shared>>
      tpu.enqueue_dma source(%dma_start3A_23 : memref<640xf32, #tpu.memory_space<vmem_shared>>) target(%dma_start3A : memref<640xf32, #tpu.memory_space<hbm>>) target_semaphore(%run_scoped3A_22 : memref<!tpu.dma_semaphore, #tpu.memory_space<semaphore_mem>>)
      %dma_wait3A = tpu.memref_slice %arg6[%add3A_21] : memref<20480xf32, #tpu.memory_space<hbm>> -> memref<640xf32, #tpu.memory_space<hbm>>
      %dma_wait3A_24 = tpu.memref_slice %arg9[%mul3A_16] : memref<10240xf32, #tpu.memory_space<vmem_shared>> -> memref<640xf32, #tpu.memory_space<vmem_shared>>
      tpu.wait_dma2 semaphore(%run_scoped3A_22 : memref<!tpu.dma_semaphore, #tpu.memory_space<semaphore_mem>>) src(%dma_wait3A_24 : memref<640xf32, #tpu.memory_space<vmem_shared>>) dst(%dma_wait3A : memref<640xf32, #tpu.memory_space<hbm>>)
      tpu.yield
    }) : () -> ()
    return
  }
}

#map = affine_map<(d0, d1) -> (0, 0)>
#map1 = affine_map<(d0, d1) -> (0, 0, 0, 0)>
module attributes {stable_mosaic.version = 14 : i64} {
  func.func @_agg(%arg0: i32, %arg1: i32, %arg2: memref<10240x128xf32, #tpu.memory_space<hbm>>, %arg3: memref<2x32x136x80xi32, #tpu.memory_space<hbm>>, %arg4: memref<640x128xf32, #tpu.memory_space<hbm>>, %arg5: memref<20480x128xf32, #tpu.memory_space<hbm>>, %arg6: memref<72x80xi32, #tpu.memory_space<vmem>>, %arg7: memref<64x80xi32, #tpu.memory_space<vmem>>, %arg8: memref<80x128xf32, #tpu.memory_space<vmem>>, %arg9: memref<80x128xf32, #tpu.memory_space<vmem>>, %arg10: memref<80x128xf32, #tpu.memory_space<vmem>>, %arg11: memref<10240x128xf32, #tpu.memory_space<vmem_shared>>, %arg12: memref<!tpu.dma_semaphore, #tpu.memory_space<semaphore_mem>>, %arg13: memref<!tpu.dma_semaphore, #tpu.memory_space<semaphore_mem>>, %arg14: memref<!tpu.dma_semaphore, #tpu.memory_space<semaphore_mem>>) attributes {dimension_semantics = [#tpu.dimension_semantics<core_parallel>, #tpu.dimension_semantics<subcore_parallel>], iteration_bounds = array<i64: 2, 16>, scalar_prefetch = 0 : i64, scratch_operands = 9 : i64, tpu.core_type = #tpu.core_type<sc_vector_subcore>, window_params = [{transform_indices = #map}, {transform_indices = #map1}, {transform_indices = #map}, {transform_indices = #map}]} {
    %mul3A = arith.constant 2 : i32
    %mul3A_0 = arith.muli %arg1, %mul3A : i32
    %add3A = arith.addi %mul3A_0, %arg0 : i32
    %eq3A = arith.constant 0 : i32
    %eq3A_1 = arith.cmpi eq, %arg0, %eq3A : i32
    %convert_element_type3A = arith.extui %eq3A_1 : i1 to i32
    %cond3A = arith.constant 0 : i32
    %cond3A_2 = arith.cmpi ne, %convert_element_type3A, %cond3A : i32
    scf.if %cond3A_2 {
      %mul3A_94 = arith.constant 640 : i32
      %mul3A_95 = arith.muli %arg1, %mul3A_94 : i32
      %mul3A_96 = arith.constant 640 : i32
      %mul3A_97 = arith.muli %arg1, %mul3A_96 : i32
      "tpu.region"() ({
        %run_scoped3A_98 = tpu.sem_alloc : memref<!tpu.dma_semaphore, #tpu.memory_space<semaphore_mem>>
        %dma_start3A_99 = arith.constant 0 : i32
        %dma_start3A_100 = tpu.memref_slice %arg11[%mul3A_97, %dma_start3A_99] : memref<10240x128xf32, #tpu.memory_space<vmem_shared>> -> memref<640x128xf32, #tpu.memory_space<vmem_shared>>
        %dma_start3A_101 = arith.constant 0 : i32
        %dma_start3A_102 = tpu.memref_slice %arg2[%mul3A_95, %dma_start3A_101] : memref<10240x128xf32, #tpu.memory_space<hbm>> -> memref<640x128xf32, #tpu.memory_space<hbm>>
        tpu.enqueue_dma source(%dma_start3A_102 : memref<640x128xf32, #tpu.memory_space<hbm>>) target(%dma_start3A_100 : memref<640x128xf32, #tpu.memory_space<vmem_shared>>) target_semaphore(%run_scoped3A_98 : memref<!tpu.dma_semaphore, #tpu.memory_space<semaphore_mem>>)
        %dma_wait3A_103 = arith.constant 0 : i32
        %dma_wait3A_104 = tpu.memref_slice %arg11[%mul3A_97, %dma_wait3A_103] : memref<10240x128xf32, #tpu.memory_space<vmem_shared>> -> memref<640x128xf32, #tpu.memory_space<vmem_shared>>
        %dma_wait3A_105 = arith.constant 0 : i32
        %dma_wait3A_106 = tpu.memref_slice %arg2[%mul3A_95, %dma_wait3A_105] : memref<10240x128xf32, #tpu.memory_space<hbm>> -> memref<640x128xf32, #tpu.memory_space<hbm>>
        tpu.wait_dma2 semaphore(%run_scoped3A_98 : memref<!tpu.dma_semaphore, #tpu.memory_space<semaphore_mem>>) src(%dma_wait3A_106 : memref<640x128xf32, #tpu.memory_space<hbm>>) dst(%dma_wait3A_104 : memref<640x128xf32, #tpu.memory_space<vmem_shared>>)
        tpu.yield
      }) : () -> ()
    } else {
    }
    %eq3A_3 = arith.constant 1 : i32
    %eq3A_4 = arith.cmpi eq, %arg0, %eq3A_3 : i32
    %convert_element_type3A_5 = arith.extui %eq3A_4 : i1 to i32
    %cond3A_6 = arith.constant 0 : i32
    %cond3A_7 = arith.cmpi ne, %convert_element_type3A_5, %cond3A_6 : i32
    scf.if %cond3A_7 {
      %mul3A_94 = arith.constant 640 : i32
      %mul3A_95 = arith.muli %arg1, %mul3A_94 : i32
      "tpu.region"() ({
        %run_scoped3A_96 = tpu.sem_alloc : memref<!tpu.dma_semaphore, #tpu.memory_space<semaphore_mem>>
        %dma_start3A_97 = arith.constant 0 : i32
        %dma_start3A_98 = tpu.memref_slice %arg11[%mul3A_95, %dma_start3A_97] : memref<10240x128xf32, #tpu.memory_space<vmem_shared>> -> memref<640x128xf32, #tpu.memory_space<vmem_shared>>
        tpu.enqueue_dma source(%arg4 : memref<640x128xf32, #tpu.memory_space<hbm>>) target(%dma_start3A_98 : memref<640x128xf32, #tpu.memory_space<vmem_shared>>) target_semaphore(%run_scoped3A_96 : memref<!tpu.dma_semaphore, #tpu.memory_space<semaphore_mem>>)
        %dma_wait3A_99 = arith.constant 0 : i32
        %dma_wait3A_100 = tpu.memref_slice %arg11[%mul3A_95, %dma_wait3A_99] : memref<10240x128xf32, #tpu.memory_space<vmem_shared>> -> memref<640x128xf32, #tpu.memory_space<vmem_shared>>
        tpu.wait_dma2 semaphore(%run_scoped3A_96 : memref<!tpu.dma_semaphore, #tpu.memory_space<semaphore_mem>>) src(%arg4 : memref<640x128xf32, #tpu.memory_space<hbm>>) dst(%dma_wait3A_100 : memref<640x128xf32, #tpu.memory_space<vmem_shared>>)
        tpu.yield
      }) : () -> ()
    } else {
    }
    %run_scoped3A = arith.constant 0 : i32
    "tpu.region"() ({
      %run_scoped3A_94 = tpu.sem_alloc : memref<!tpu.dma_semaphore, #tpu.memory_space<semaphore_mem>>
      %dma_start3A_95 = arith.constant 0 : i32
      %dma_start3A_96 = arith.constant 0 : i32
      %dma_start3A_97 = tpu.memref_slice %arg3[%run_scoped3A, %add3A, %dma_start3A_95, %dma_start3A_96] : memref<2x32x136x80xi32, #tpu.memory_space<hbm>> -> memref<1x1x72x80xi32, #tpu.memory_space<hbm>>
      %dma_start3A_98 = tpu.memref_squeeze %dma_start3A_97 : memref<1x1x72x80xi32, #tpu.memory_space<hbm>> -> memref<72x80xi32, #tpu.memory_space<hbm>>
      %dma_start3A_99 = arith.constant 0 : i32
      %dma_start3A_100 = arith.constant 0 : i32
      %dma_start3A_101 = tpu.memref_slice %arg3[%run_scoped3A, %add3A, %dma_start3A_99, %dma_start3A_100] : memref<2x32x136x80xi32, #tpu.memory_space<hbm>> -> memref<1x1x72x80xi32, #tpu.memory_space<hbm>>
      %dma_start3A_102 = tpu.memref_squeeze %dma_start3A_101 : memref<1x1x72x80xi32, #tpu.memory_space<hbm>> -> memref<72x80xi32, #tpu.memory_space<hbm>>
      tpu.enqueue_dma source(%dma_start3A_102 : memref<72x80xi32, #tpu.memory_space<hbm>>) target(%arg6 : memref<72x80xi32, #tpu.memory_space<vmem>>) target_semaphore(%run_scoped3A_94 : memref<!tpu.dma_semaphore, #tpu.memory_space<semaphore_mem>>)
      %dma_wait3A_103 = arith.constant 0 : i32
      %dma_wait3A_104 = arith.constant 0 : i32
      %dma_wait3A_105 = tpu.memref_slice %arg3[%run_scoped3A, %add3A, %dma_wait3A_103, %dma_wait3A_104] : memref<2x32x136x80xi32, #tpu.memory_space<hbm>> -> memref<1x1x72x80xi32, #tpu.memory_space<hbm>>
      %dma_wait3A_106 = tpu.memref_squeeze %dma_wait3A_105 : memref<1x1x72x80xi32, #tpu.memory_space<hbm>> -> memref<72x80xi32, #tpu.memory_space<hbm>>
      %dma_wait3A_107 = arith.constant 0 : i32
      %dma_wait3A_108 = arith.constant 0 : i32
      %dma_wait3A_109 = tpu.memref_slice %arg3[%run_scoped3A, %add3A, %dma_wait3A_107, %dma_wait3A_108] : memref<2x32x136x80xi32, #tpu.memory_space<hbm>> -> memref<1x1x72x80xi32, #tpu.memory_space<hbm>>
      %dma_wait3A_110 = tpu.memref_squeeze %dma_wait3A_109 : memref<1x1x72x80xi32, #tpu.memory_space<hbm>> -> memref<72x80xi32, #tpu.memory_space<hbm>>
      tpu.wait_dma2 semaphore(%run_scoped3A_94 : memref<!tpu.dma_semaphore, #tpu.memory_space<semaphore_mem>>) src(%dma_wait3A_110 : memref<72x80xi32, #tpu.memory_space<hbm>>) dst(%arg6 : memref<72x80xi32, #tpu.memory_space<vmem>>)
      tpu.yield
    }) : () -> ()
    %run_scoped3A_8 = arith.constant 1 : i32
    "tpu.region"() ({
      %run_scoped3A_94 = tpu.sem_alloc : memref<!tpu.dma_semaphore, #tpu.memory_space<semaphore_mem>>
      %dma_start3A_95 = arith.constant 0 : i32
      %dma_start3A_96 = arith.constant 0 : i32
      %dma_start3A_97 = tpu.memref_slice %arg3[%run_scoped3A_8, %add3A, %dma_start3A_95, %dma_start3A_96] : memref<2x32x136x80xi32, #tpu.memory_space<hbm>> -> memref<1x1x64x80xi32, #tpu.memory_space<hbm>>
      %dma_start3A_98 = tpu.memref_squeeze %dma_start3A_97 : memref<1x1x64x80xi32, #tpu.memory_space<hbm>> -> memref<64x80xi32, #tpu.memory_space<hbm>>
      %dma_start3A_99 = arith.constant 0 : i32
      %dma_start3A_100 = arith.constant 0 : i32
      %dma_start3A_101 = tpu.memref_slice %arg3[%run_scoped3A_8, %add3A, %dma_start3A_99, %dma_start3A_100] : memref<2x32x136x80xi32, #tpu.memory_space<hbm>> -> memref<1x1x64x80xi32, #tpu.memory_space<hbm>>
      %dma_start3A_102 = tpu.memref_squeeze %dma_start3A_101 : memref<1x1x64x80xi32, #tpu.memory_space<hbm>> -> memref<64x80xi32, #tpu.memory_space<hbm>>
      tpu.enqueue_dma source(%dma_start3A_102 : memref<64x80xi32, #tpu.memory_space<hbm>>) target(%arg7 : memref<64x80xi32, #tpu.memory_space<vmem>>) target_semaphore(%run_scoped3A_94 : memref<!tpu.dma_semaphore, #tpu.memory_space<semaphore_mem>>)
      %dma_wait3A_103 = arith.constant 0 : i32
      %dma_wait3A_104 = arith.constant 0 : i32
      %dma_wait3A_105 = tpu.memref_slice %arg3[%run_scoped3A_8, %add3A, %dma_wait3A_103, %dma_wait3A_104] : memref<2x32x136x80xi32, #tpu.memory_space<hbm>> -> memref<1x1x64x80xi32, #tpu.memory_space<hbm>>
      %dma_wait3A_106 = tpu.memref_squeeze %dma_wait3A_105 : memref<1x1x64x80xi32, #tpu.memory_space<hbm>> -> memref<64x80xi32, #tpu.memory_space<hbm>>
      %dma_wait3A_107 = arith.constant 0 : i32
      %dma_wait3A_108 = arith.constant 0 : i32
      %dma_wait3A_109 = tpu.memref_slice %arg3[%run_scoped3A_8, %add3A, %dma_wait3A_107, %dma_wait3A_108] : memref<2x32x136x80xi32, #tpu.memory_space<hbm>> -> memref<1x1x64x80xi32, #tpu.memory_space<hbm>>
      %dma_wait3A_110 = tpu.memref_squeeze %dma_wait3A_109 : memref<1x1x64x80xi32, #tpu.memory_space<hbm>> -> memref<64x80xi32, #tpu.memory_space<hbm>>
      tpu.wait_dma2 semaphore(%run_scoped3A_94 : memref<!tpu.dma_semaphore, #tpu.memory_space<semaphore_mem>>) src(%dma_wait3A_110 : memref<64x80xi32, #tpu.memory_space<hbm>>) dst(%arg7 : memref<64x80xi32, #tpu.memory_space<vmem>>)
      tpu.yield
    }) : () -> ()
    %barrier3A = arith.constant 0 : index
    tpu.barrier barrier_id(%barrier3A)
    %dma_start3A = arith.constant 0 : i32
    %dma_start3A_9 = arith.constant 0 : i32
    %dma_start3A_10 = tpu.memref_slice %arg6[%dma_start3A, %dma_start3A_9] : memref<72x80xi32, #tpu.memory_space<vmem>> -> memref<1x80xi32, #tpu.memory_space<vmem>>
    %dma_start3A_11 = tpu.memref_squeeze %dma_start3A_10 : memref<1x80xi32, #tpu.memory_space<vmem>> -> memref<80xi32, #tpu.memory_space<vmem>>
    %dma_start3A_12 = arith.constant 0 : i32
    %dma_start3A_13 = arith.constant 0 : i32
    %dma_start3A_14 = tpu.memref_slice %arg2[%dma_start3A_12, %dma_start3A_13] : memref<10240x128xf32, #tpu.memory_space<hbm>> -> memref<10240x128xf32, #tpu.memory_space<hbm>>
    tpu.enqueue_indirect_dma source(%dma_start3A_14 : memref<10240x128xf32, #tpu.memory_space<hbm>>) target(%arg8 : memref<80x128xf32, #tpu.memory_space<vmem>>) offsets(%dma_start3A_11 : memref<80xi32, #tpu.memory_space<vmem>>) semaphore(%arg12 : memref<!tpu.dma_semaphore, #tpu.memory_space<semaphore_mem>>)
    %dma_start3A_15 = arith.constant 1 : i32
    %dma_start3A_16 = arith.constant 0 : i32
    %dma_start3A_17 = tpu.memref_slice %arg6[%dma_start3A_15, %dma_start3A_16] : memref<72x80xi32, #tpu.memory_space<vmem>> -> memref<1x80xi32, #tpu.memory_space<vmem>>
    %dma_start3A_18 = tpu.memref_squeeze %dma_start3A_17 : memref<1x80xi32, #tpu.memory_space<vmem>> -> memref<80xi32, #tpu.memory_space<vmem>>
    %dma_start3A_19 = arith.constant 0 : i32
    %dma_start3A_20 = arith.constant 0 : i32
    %dma_start3A_21 = tpu.memref_slice %arg2[%dma_start3A_19, %dma_start3A_20] : memref<10240x128xf32, #tpu.memory_space<hbm>> -> memref<10240x128xf32, #tpu.memory_space<hbm>>
    tpu.enqueue_indirect_dma source(%dma_start3A_21 : memref<10240x128xf32, #tpu.memory_space<hbm>>) target(%arg9 : memref<80x128xf32, #tpu.memory_space<vmem>>) offsets(%dma_start3A_18 : memref<80xi32, #tpu.memory_space<vmem>>) semaphore(%arg13 : memref<!tpu.dma_semaphore, #tpu.memory_space<semaphore_mem>>)
    %dma_start3A_22 = arith.constant 2 : i32
    %dma_start3A_23 = arith.constant 0 : i32
    %dma_start3A_24 = tpu.memref_slice %arg6[%dma_start3A_22, %dma_start3A_23] : memref<72x80xi32, #tpu.memory_space<vmem>> -> memref<1x80xi32, #tpu.memory_space<vmem>>
    %dma_start3A_25 = tpu.memref_squeeze %dma_start3A_24 : memref<1x80xi32, #tpu.memory_space<vmem>> -> memref<80xi32, #tpu.memory_space<vmem>>
    %dma_start3A_26 = arith.constant 0 : i32
    %dma_start3A_27 = arith.constant 0 : i32
    %dma_start3A_28 = tpu.memref_slice %arg2[%dma_start3A_26, %dma_start3A_27] : memref<10240x128xf32, #tpu.memory_space<hbm>> -> memref<10240x128xf32, #tpu.memory_space<hbm>>
    tpu.enqueue_indirect_dma source(%dma_start3A_28 : memref<10240x128xf32, #tpu.memory_space<hbm>>) target(%arg10 : memref<80x128xf32, #tpu.memory_space<vmem>>) offsets(%dma_start3A_25 : memref<80xi32, #tpu.memory_space<vmem>>) semaphore(%arg14 : memref<!tpu.dma_semaphore, #tpu.memory_space<semaphore_mem>>)
    %scan3A = arith.constant 0 : i32
    %scan3A_29 = arith.constant 0 : i32
    %scan3A_30 = arith.constant 22 : i32
    %scan3A_31 = arith.addi %scan3A_29, %scan3A_30 : i32
    %scan3A_32 = arith.constant 1 : i32
    scf.for %scan3A_94 = %scan3A_29 to %scan3A_31 step %scan3A_32  : i32 {
      %mul3A_95 = arith.constant 3 : i32
      %mul3A_96 = arith.muli %scan3A_94, %mul3A_95 : i32
      %add3A_97 = arith.constant 0 : i32
      %add3A_98 = arith.addi %mul3A_96, %add3A_97 : i32
      %lt3A = arith.constant 64 : i32
      %lt3A_99 = arith.cmpi slt, %add3A_98, %lt3A : i32
      %convert_element_type3A_100 = arith.extui %lt3A_99 : i1 to i32
      %cond3A_101 = arith.constant 0 : i32
      %cond3A_102 = arith.cmpi ne, %convert_element_type3A_100, %cond3A_101 : i32
      scf.if %cond3A_102 {
        %dma_wait3A_121 = arith.constant 0 : i32
        %dma_wait3A_122 = tpu.memref_slice %arg6[%add3A_98, %dma_wait3A_121] : memref<72x80xi32, #tpu.memory_space<vmem>> -> memref<1x80xi32, #tpu.memory_space<vmem>>
        %dma_wait3A_123 = tpu.memref_squeeze %dma_wait3A_122 : memref<1x80xi32, #tpu.memory_space<vmem>> -> memref<80xi32, #tpu.memory_space<vmem>>
        %dma_wait3A_124 = arith.constant 0 : i32
        %dma_wait3A_125 = arith.constant 0 : i32
        %dma_wait3A_126 = tpu.memref_slice %arg2[%dma_wait3A_124, %dma_wait3A_125] : memref<10240x128xf32, #tpu.memory_space<hbm>> -> memref<10240x128xf32, #tpu.memory_space<hbm>>
        tpu.wait_indirect_dma semaphore(%arg12 : memref<!tpu.dma_semaphore, #tpu.memory_space<semaphore_mem>>) src(%dma_wait3A_126 : memref<10240x128xf32, #tpu.memory_space<hbm>>) dst(%arg8 : memref<80x128xf32, #tpu.memory_space<vmem>>)
        "tpu.region"() ({
          %run_scoped3A_135 = tpu.sem_alloc : memref<!tpu.dma_semaphore, #tpu.memory_space<semaphore_mem>>
          %dma_start3A_136 = arith.constant 0 : i32
          %dma_start3A_137 = tpu.memref_slice %arg7[%add3A_98, %dma_start3A_136] : memref<64x80xi32, #tpu.memory_space<vmem>> -> memref<1x80xi32, #tpu.memory_space<vmem>>
          %dma_start3A_138 = tpu.memref_squeeze %dma_start3A_137 : memref<1x80xi32, #tpu.memory_space<vmem>> -> memref<80xi32, #tpu.memory_space<vmem>>
          %dma_start3A_139 = arith.constant 0 : i32
          %dma_start3A_140 = arith.constant 0 : i32
          %dma_start3A_141 = tpu.memref_slice %arg11[%dma_start3A_139, %dma_start3A_140] : memref<10240x128xf32, #tpu.memory_space<vmem_shared>> -> memref<10240x128xf32, #tpu.memory_space<vmem_shared>>
          tpu.enqueue_indirect_dma source(%arg8 : memref<80x128xf32, #tpu.memory_space<vmem>>) target(%dma_start3A_141 : memref<10240x128xf32, #tpu.memory_space<vmem_shared>>) offsets(%dma_start3A_138 : memref<80xi32, #tpu.memory_space<vmem>>) semaphore(%run_scoped3A_135 : memref<!tpu.dma_semaphore, #tpu.memory_space<semaphore_mem>>) {add = true}
          %dma_wait3A_142 = arith.constant 0 : i32
          %dma_wait3A_143 = tpu.memref_slice %arg7[%add3A_98, %dma_wait3A_142] : memref<64x80xi32, #tpu.memory_space<vmem>> -> memref<1x80xi32, #tpu.memory_space<vmem>>
          %dma_wait3A_144 = tpu.memref_squeeze %dma_wait3A_143 : memref<1x80xi32, #tpu.memory_space<vmem>> -> memref<80xi32, #tpu.memory_space<vmem>>
          %dma_wait3A_145 = arith.constant 0 : i32
          %dma_wait3A_146 = arith.constant 0 : i32
          %dma_wait3A_147 = tpu.memref_slice %arg11[%dma_wait3A_145, %dma_wait3A_146] : memref<10240x128xf32, #tpu.memory_space<vmem_shared>> -> memref<10240x128xf32, #tpu.memory_space<vmem_shared>>
          tpu.wait_indirect_dma semaphore(%run_scoped3A_135 : memref<!tpu.dma_semaphore, #tpu.memory_space<semaphore_mem>>) src(%arg8 : memref<80x128xf32, #tpu.memory_space<vmem>>) dst(%dma_wait3A_147 : memref<10240x128xf32, #tpu.memory_space<vmem_shared>>)
          tpu.yield
        }) : () -> ()
        %add3A_127 = arith.constant 3 : i32
        %add3A_128 = arith.addi %add3A_98, %add3A_127 : i32
        %dma_start3A_129 = arith.constant 0 : i32
        %dma_start3A_130 = tpu.memref_slice %arg6[%add3A_128, %dma_start3A_129] : memref<72x80xi32, #tpu.memory_space<vmem>> -> memref<1x80xi32, #tpu.memory_space<vmem>>
        %dma_start3A_131 = tpu.memref_squeeze %dma_start3A_130 : memref<1x80xi32, #tpu.memory_space<vmem>> -> memref<80xi32, #tpu.memory_space<vmem>>
        %dma_start3A_132 = arith.constant 0 : i32
        %dma_start3A_133 = arith.constant 0 : i32
        %dma_start3A_134 = tpu.memref_slice %arg2[%dma_start3A_132, %dma_start3A_133] : memref<10240x128xf32, #tpu.memory_space<hbm>> -> memref<10240x128xf32, #tpu.memory_space<hbm>>
        tpu.enqueue_indirect_dma source(%dma_start3A_134 : memref<10240x128xf32, #tpu.memory_space<hbm>>) target(%arg8 : memref<80x128xf32, #tpu.memory_space<vmem>>) offsets(%dma_start3A_131 : memref<80xi32, #tpu.memory_space<vmem>>) semaphore(%arg12 : memref<!tpu.dma_semaphore, #tpu.memory_space<semaphore_mem>>)
      } else {
      }
      %mul3A_103 = arith.constant 3 : i32
      %mul3A_104 = arith.muli %scan3A_94, %mul3A_103 : i32
      %add3A_105 = arith.constant 1 : i32
      %add3A_106 = arith.addi %mul3A_104, %add3A_105 : i32
      %lt3A_107 = arith.constant 64 : i32
      %lt3A_108 = arith.cmpi slt, %add3A_106, %lt3A_107 : i32
      %convert_element_type3A_109 = arith.extui %lt3A_108 : i1 to i32
      %cond3A_110 = arith.constant 0 : i32
      %cond3A_111 = arith.cmpi ne, %convert_element_type3A_109, %cond3A_110 : i32
      scf.if %cond3A_111 {
        %dma_wait3A_121 = arith.constant 0 : i32
        %dma_wait3A_122 = tpu.memref_slice %arg6[%add3A_106, %dma_wait3A_121] : memref<72x80xi32, #tpu.memory_space<vmem>> -> memref<1x80xi32, #tpu.memory_space<vmem>>
        %dma_wait3A_123 = tpu.memref_squeeze %dma_wait3A_122 : memref<1x80xi32, #tpu.memory_space<vmem>> -> memref<80xi32, #tpu.memory_space<vmem>>
        %dma_wait3A_124 = arith.constant 0 : i32
        %dma_wait3A_125 = arith.constant 0 : i32
        %dma_wait3A_126 = tpu.memref_slice %arg2[%dma_wait3A_124, %dma_wait3A_125] : memref<10240x128xf32, #tpu.memory_space<hbm>> -> memref<10240x128xf32, #tpu.memory_space<hbm>>
        tpu.wait_indirect_dma semaphore(%arg13 : memref<!tpu.dma_semaphore, #tpu.memory_space<semaphore_mem>>) src(%dma_wait3A_126 : memref<10240x128xf32, #tpu.memory_space<hbm>>) dst(%arg9 : memref<80x128xf32, #tpu.memory_space<vmem>>)
        "tpu.region"() ({
          %run_scoped3A_135 = tpu.sem_alloc : memref<!tpu.dma_semaphore, #tpu.memory_space<semaphore_mem>>
          %dma_start3A_136 = arith.constant 0 : i32
          %dma_start3A_137 = tpu.memref_slice %arg7[%add3A_106, %dma_start3A_136] : memref<64x80xi32, #tpu.memory_space<vmem>> -> memref<1x80xi32, #tpu.memory_space<vmem>>
          %dma_start3A_138 = tpu.memref_squeeze %dma_start3A_137 : memref<1x80xi32, #tpu.memory_space<vmem>> -> memref<80xi32, #tpu.memory_space<vmem>>
          %dma_start3A_139 = arith.constant 0 : i32
          %dma_start3A_140 = arith.constant 0 : i32
          %dma_start3A_141 = tpu.memref_slice %arg11[%dma_start3A_139, %dma_start3A_140] : memref<10240x128xf32, #tpu.memory_space<vmem_shared>> -> memref<10240x128xf32, #tpu.memory_space<vmem_shared>>
          tpu.enqueue_indirect_dma source(%arg9 : memref<80x128xf32, #tpu.memory_space<vmem>>) target(%dma_start3A_141 : memref<10240x128xf32, #tpu.memory_space<vmem_shared>>) offsets(%dma_start3A_138 : memref<80xi32, #tpu.memory_space<vmem>>) semaphore(%run_scoped3A_135 : memref<!tpu.dma_semaphore, #tpu.memory_space<semaphore_mem>>) {add = true}
          %dma_wait3A_142 = arith.constant 0 : i32
          %dma_wait3A_143 = tpu.memref_slice %arg7[%add3A_106, %dma_wait3A_142] : memref<64x80xi32, #tpu.memory_space<vmem>> -> memref<1x80xi32, #tpu.memory_space<vmem>>
          %dma_wait3A_144 = tpu.memref_squeeze %dma_wait3A_143 : memref<1x80xi32, #tpu.memory_space<vmem>> -> memref<80xi32, #tpu.memory_space<vmem>>
          %dma_wait3A_145 = arith.constant 0 : i32
          %dma_wait3A_146 = arith.constant 0 : i32
          %dma_wait3A_147 = tpu.memref_slice %arg11[%dma_wait3A_145, %dma_wait3A_146] : memref<10240x128xf32, #tpu.memory_space<vmem_shared>> -> memref<10240x128xf32, #tpu.memory_space<vmem_shared>>
          tpu.wait_indirect_dma semaphore(%run_scoped3A_135 : memref<!tpu.dma_semaphore, #tpu.memory_space<semaphore_mem>>) src(%arg9 : memref<80x128xf32, #tpu.memory_space<vmem>>) dst(%dma_wait3A_147 : memref<10240x128xf32, #tpu.memory_space<vmem_shared>>)
          tpu.yield
        }) : () -> ()
        %add3A_127 = arith.constant 3 : i32
        %add3A_128 = arith.addi %add3A_106, %add3A_127 : i32
        %dma_start3A_129 = arith.constant 0 : i32
        %dma_start3A_130 = tpu.memref_slice %arg6[%add3A_128, %dma_start3A_129] : memref<72x80xi32, #tpu.memory_space<vmem>> -> memref<1x80xi32, #tpu.memory_space<vmem>>
        %dma_start3A_131 = tpu.memref_squeeze %dma_start3A_130 : memref<1x80xi32, #tpu.memory_space<vmem>> -> memref<80xi32, #tpu.memory_space<vmem>>
        %dma_start3A_132 = arith.constant 0 : i32
        %dma_start3A_133 = arith.constant 0 : i32
        %dma_start3A_134 = tpu.memref_slice %arg2[%dma_start3A_132, %dma_start3A_133] : memref<10240x128xf32, #tpu.memory_space<hbm>> -> memref<10240x128xf32, #tpu.memory_space<hbm>>
        tpu.enqueue_indirect_dma source(%dma_start3A_134 : memref<10240x128xf32, #tpu.memory_space<hbm>>) target(%arg9 : memref<80x128xf32, #tpu.memory_space<vmem>>) offsets(%dma_start3A_131 : memref<80xi32, #tpu.memory_space<vmem>>) semaphore(%arg13 : memref<!tpu.dma_semaphore, #tpu.memory_space<semaphore_mem>>)
      } else {
      }
      %mul3A_112 = arith.constant 3 : i32
      %mul3A_113 = arith.muli %scan3A_94, %mul3A_112 : i32
      %add3A_114 = arith.constant 2 : i32
      %add3A_115 = arith.addi %mul3A_113, %add3A_114 : i32
      %lt3A_116 = arith.constant 64 : i32
      %lt3A_117 = arith.cmpi slt, %add3A_115, %lt3A_116 : i32
      %convert_element_type3A_118 = arith.extui %lt3A_117 : i1 to i32
      %cond3A_119 = arith.constant 0 : i32
      %cond3A_120 = arith.cmpi ne, %convert_element_type3A_118, %cond3A_119 : i32
      scf.if %cond3A_120 {
        %dma_wait3A_121 = arith.constant 0 : i32
        %dma_wait3A_122 = tpu.memref_slice %arg6[%add3A_115, %dma_wait3A_121] : memref<72x80xi32, #tpu.memory_space<vmem>> -> memref<1x80xi32, #tpu.memory_space<vmem>>
        %dma_wait3A_123 = tpu.memref_squeeze %dma_wait3A_122 : memref<1x80xi32, #tpu.memory_space<vmem>> -> memref<80xi32, #tpu.memory_space<vmem>>
        %dma_wait3A_124 = arith.constant 0 : i32
        %dma_wait3A_125 = arith.constant 0 : i32
        %dma_wait3A_126 = tpu.memref_slice %arg2[%dma_wait3A_124, %dma_wait3A_125] : memref<10240x128xf32, #tpu.memory_space<hbm>> -> memref<10240x128xf32, #tpu.memory_space<hbm>>
        tpu.wait_indirect_dma semaphore(%arg14 : memref<!tpu.dma_semaphore, #tpu.memory_space<semaphore_mem>>) src(%dma_wait3A_126 : memref<10240x128xf32, #tpu.memory_space<hbm>>) dst(%arg10 : memref<80x128xf32, #tpu.memory_space<vmem>>)
        "tpu.region"() ({
          %run_scoped3A_135 = tpu.sem_alloc : memref<!tpu.dma_semaphore, #tpu.memory_space<semaphore_mem>>
          %dma_start3A_136 = arith.constant 0 : i32
          %dma_start3A_137 = tpu.memref_slice %arg7[%add3A_115, %dma_start3A_136] : memref<64x80xi32, #tpu.memory_space<vmem>> -> memref<1x80xi32, #tpu.memory_space<vmem>>
          %dma_start3A_138 = tpu.memref_squeeze %dma_start3A_137 : memref<1x80xi32, #tpu.memory_space<vmem>> -> memref<80xi32, #tpu.memory_space<vmem>>
          %dma_start3A_139 = arith.constant 0 : i32
          %dma_start3A_140 = arith.constant 0 : i32
          %dma_start3A_141 = tpu.memref_slice %arg11[%dma_start3A_139, %dma_start3A_140] : memref<10240x128xf32, #tpu.memory_space<vmem_shared>> -> memref<10240x128xf32, #tpu.memory_space<vmem_shared>>
          tpu.enqueue_indirect_dma source(%arg10 : memref<80x128xf32, #tpu.memory_space<vmem>>) target(%dma_start3A_141 : memref<10240x128xf32, #tpu.memory_space<vmem_shared>>) offsets(%dma_start3A_138 : memref<80xi32, #tpu.memory_space<vmem>>) semaphore(%run_scoped3A_135 : memref<!tpu.dma_semaphore, #tpu.memory_space<semaphore_mem>>) {add = true}
          %dma_wait3A_142 = arith.constant 0 : i32
          %dma_wait3A_143 = tpu.memref_slice %arg7[%add3A_115, %dma_wait3A_142] : memref<64x80xi32, #tpu.memory_space<vmem>> -> memref<1x80xi32, #tpu.memory_space<vmem>>
          %dma_wait3A_144 = tpu.memref_squeeze %dma_wait3A_143 : memref<1x80xi32, #tpu.memory_space<vmem>> -> memref<80xi32, #tpu.memory_space<vmem>>
          %dma_wait3A_145 = arith.constant 0 : i32
          %dma_wait3A_146 = arith.constant 0 : i32
          %dma_wait3A_147 = tpu.memref_slice %arg11[%dma_wait3A_145, %dma_wait3A_146] : memref<10240x128xf32, #tpu.memory_space<vmem_shared>> -> memref<10240x128xf32, #tpu.memory_space<vmem_shared>>
          tpu.wait_indirect_dma semaphore(%run_scoped3A_135 : memref<!tpu.dma_semaphore, #tpu.memory_space<semaphore_mem>>) src(%arg10 : memref<80x128xf32, #tpu.memory_space<vmem>>) dst(%dma_wait3A_147 : memref<10240x128xf32, #tpu.memory_space<vmem_shared>>)
          tpu.yield
        }) : () -> ()
        %add3A_127 = arith.constant 3 : i32
        %add3A_128 = arith.addi %add3A_115, %add3A_127 : i32
        %dma_start3A_129 = arith.constant 0 : i32
        %dma_start3A_130 = tpu.memref_slice %arg6[%add3A_128, %dma_start3A_129] : memref<72x80xi32, #tpu.memory_space<vmem>> -> memref<1x80xi32, #tpu.memory_space<vmem>>
        %dma_start3A_131 = tpu.memref_squeeze %dma_start3A_130 : memref<1x80xi32, #tpu.memory_space<vmem>> -> memref<80xi32, #tpu.memory_space<vmem>>
        %dma_start3A_132 = arith.constant 0 : i32
        %dma_start3A_133 = arith.constant 0 : i32
        %dma_start3A_134 = tpu.memref_slice %arg2[%dma_start3A_132, %dma_start3A_133] : memref<10240x128xf32, #tpu.memory_space<hbm>> -> memref<10240x128xf32, #tpu.memory_space<hbm>>
        tpu.enqueue_indirect_dma source(%dma_start3A_134 : memref<10240x128xf32, #tpu.memory_space<hbm>>) target(%arg10 : memref<80x128xf32, #tpu.memory_space<vmem>>) offsets(%dma_start3A_131 : memref<80xi32, #tpu.memory_space<vmem>>) semaphore(%arg14 : memref<!tpu.dma_semaphore, #tpu.memory_space<semaphore_mem>>)
      } else {
      }
    }
    %scan3A_33 = arith.constant 22 : i32
    %dma_wait3A = arith.constant 64 : i32
    %dma_wait3A_34 = arith.constant 0 : i32
    %dma_wait3A_35 = tpu.memref_slice %arg6[%dma_wait3A, %dma_wait3A_34] : memref<72x80xi32, #tpu.memory_space<vmem>> -> memref<1x80xi32, #tpu.memory_space<vmem>>
    %dma_wait3A_36 = tpu.memref_squeeze %dma_wait3A_35 : memref<1x80xi32, #tpu.memory_space<vmem>> -> memref<80xi32, #tpu.memory_space<vmem>>
    %dma_wait3A_37 = arith.constant 0 : i32
    %dma_wait3A_38 = arith.constant 0 : i32
    %dma_wait3A_39 = tpu.memref_slice %arg2[%dma_wait3A_37, %dma_wait3A_38] : memref<10240x128xf32, #tpu.memory_space<hbm>> -> memref<10240x128xf32, #tpu.memory_space<hbm>>
    tpu.wait_indirect_dma semaphore(%arg13 : memref<!tpu.dma_semaphore, #tpu.memory_space<semaphore_mem>>) src(%dma_wait3A_39 : memref<10240x128xf32, #tpu.memory_space<hbm>>) dst(%arg9 : memref<80x128xf32, #tpu.memory_space<vmem>>)
    %dma_wait3A_40 = arith.constant 65 : i32
    %dma_wait3A_41 = arith.constant 0 : i32
    %dma_wait3A_42 = tpu.memref_slice %arg6[%dma_wait3A_40, %dma_wait3A_41] : memref<72x80xi32, #tpu.memory_space<vmem>> -> memref<1x80xi32, #tpu.memory_space<vmem>>
    %dma_wait3A_43 = tpu.memref_squeeze %dma_wait3A_42 : memref<1x80xi32, #tpu.memory_space<vmem>> -> memref<80xi32, #tpu.memory_space<vmem>>
    %dma_wait3A_44 = arith.constant 0 : i32
    %dma_wait3A_45 = arith.constant 0 : i32
    %dma_wait3A_46 = tpu.memref_slice %arg2[%dma_wait3A_44, %dma_wait3A_45] : memref<10240x128xf32, #tpu.memory_space<hbm>> -> memref<10240x128xf32, #tpu.memory_space<hbm>>
    tpu.wait_indirect_dma semaphore(%arg14 : memref<!tpu.dma_semaphore, #tpu.memory_space<semaphore_mem>>) src(%dma_wait3A_46 : memref<10240x128xf32, #tpu.memory_space<hbm>>) dst(%arg10 : memref<80x128xf32, #tpu.memory_space<vmem>>)
    %dma_wait3A_47 = arith.constant 66 : i32
    %dma_wait3A_48 = arith.constant 0 : i32
    %dma_wait3A_49 = tpu.memref_slice %arg6[%dma_wait3A_47, %dma_wait3A_48] : memref<72x80xi32, #tpu.memory_space<vmem>> -> memref<1x80xi32, #tpu.memory_space<vmem>>
    %dma_wait3A_50 = tpu.memref_squeeze %dma_wait3A_49 : memref<1x80xi32, #tpu.memory_space<vmem>> -> memref<80xi32, #tpu.memory_space<vmem>>
    %dma_wait3A_51 = arith.constant 0 : i32
    %dma_wait3A_52 = arith.constant 0 : i32
    %dma_wait3A_53 = tpu.memref_slice %arg2[%dma_wait3A_51, %dma_wait3A_52] : memref<10240x128xf32, #tpu.memory_space<hbm>> -> memref<10240x128xf32, #tpu.memory_space<hbm>>
    tpu.wait_indirect_dma semaphore(%arg12 : memref<!tpu.dma_semaphore, #tpu.memory_space<semaphore_mem>>) src(%dma_wait3A_53 : memref<10240x128xf32, #tpu.memory_space<hbm>>) dst(%arg8 : memref<80x128xf32, #tpu.memory_space<vmem>>)
    %run_scoped3A_54 = arith.constant 1 : i32
    "tpu.region"() ({
      %run_scoped3A_94 = tpu.sem_alloc : memref<!tpu.dma_semaphore, #tpu.memory_space<semaphore_mem>>
      %dma_start3A_95 = arith.constant 64 : i32
      %dma_start3A_96 = arith.constant 0 : i32
      %dma_start3A_97 = tpu.memref_slice %arg3[%run_scoped3A_54, %add3A, %dma_start3A_95, %dma_start3A_96] : memref<2x32x136x80xi32, #tpu.memory_space<hbm>> -> memref<1x1x64x80xi32, #tpu.memory_space<hbm>>
      %dma_start3A_98 = tpu.memref_squeeze %dma_start3A_97 : memref<1x1x64x80xi32, #tpu.memory_space<hbm>> -> memref<64x80xi32, #tpu.memory_space<hbm>>
      %dma_start3A_99 = arith.constant 64 : i32
      %dma_start3A_100 = arith.constant 0 : i32
      %dma_start3A_101 = tpu.memref_slice %arg3[%run_scoped3A_54, %add3A, %dma_start3A_99, %dma_start3A_100] : memref<2x32x136x80xi32, #tpu.memory_space<hbm>> -> memref<1x1x64x80xi32, #tpu.memory_space<hbm>>
      %dma_start3A_102 = tpu.memref_squeeze %dma_start3A_101 : memref<1x1x64x80xi32, #tpu.memory_space<hbm>> -> memref<64x80xi32, #tpu.memory_space<hbm>>
      tpu.enqueue_dma source(%dma_start3A_102 : memref<64x80xi32, #tpu.memory_space<hbm>>) target(%arg7 : memref<64x80xi32, #tpu.memory_space<vmem>>) target_semaphore(%run_scoped3A_94 : memref<!tpu.dma_semaphore, #tpu.memory_space<semaphore_mem>>)
      %dma_wait3A_103 = arith.constant 64 : i32
      %dma_wait3A_104 = arith.constant 0 : i32
      %dma_wait3A_105 = tpu.memref_slice %arg3[%run_scoped3A_54, %add3A, %dma_wait3A_103, %dma_wait3A_104] : memref<2x32x136x80xi32, #tpu.memory_space<hbm>> -> memref<1x1x64x80xi32, #tpu.memory_space<hbm>>
      %dma_wait3A_106 = tpu.memref_squeeze %dma_wait3A_105 : memref<1x1x64x80xi32, #tpu.memory_space<hbm>> -> memref<64x80xi32, #tpu.memory_space<hbm>>
      %dma_wait3A_107 = arith.constant 64 : i32
      %dma_wait3A_108 = arith.constant 0 : i32
      %dma_wait3A_109 = tpu.memref_slice %arg3[%run_scoped3A_54, %add3A, %dma_wait3A_107, %dma_wait3A_108] : memref<2x32x136x80xi32, #tpu.memory_space<hbm>> -> memref<1x1x64x80xi32, #tpu.memory_space<hbm>>
      %dma_wait3A_110 = tpu.memref_squeeze %dma_wait3A_109 : memref<1x1x64x80xi32, #tpu.memory_space<hbm>> -> memref<64x80xi32, #tpu.memory_space<hbm>>
      tpu.wait_dma2 semaphore(%run_scoped3A_94 : memref<!tpu.dma_semaphore, #tpu.memory_space<semaphore_mem>>) src(%dma_wait3A_110 : memref<64x80xi32, #tpu.memory_space<hbm>>) dst(%arg7 : memref<64x80xi32, #tpu.memory_space<vmem>>)
      tpu.yield
    }) : () -> ()
    %run_scoped3A_55 = arith.constant 0 : i32
    "tpu.region"() ({
      %run_scoped3A_94 = tpu.sem_alloc : memref<!tpu.dma_semaphore, #tpu.memory_space<semaphore_mem>>
      %dma_start3A_95 = arith.constant 64 : i32
      %dma_start3A_96 = arith.constant 0 : i32
      %dma_start3A_97 = tpu.memref_slice %arg3[%run_scoped3A_55, %add3A, %dma_start3A_95, %dma_start3A_96] : memref<2x32x136x80xi32, #tpu.memory_space<hbm>> -> memref<1x1x72x80xi32, #tpu.memory_space<hbm>>
      %dma_start3A_98 = tpu.memref_squeeze %dma_start3A_97 : memref<1x1x72x80xi32, #tpu.memory_space<hbm>> -> memref<72x80xi32, #tpu.memory_space<hbm>>
      %dma_start3A_99 = arith.constant 64 : i32
      %dma_start3A_100 = arith.constant 0 : i32
      %dma_start3A_101 = tpu.memref_slice %arg3[%run_scoped3A_55, %add3A, %dma_start3A_99, %dma_start3A_100] : memref<2x32x136x80xi32, #tpu.memory_space<hbm>> -> memref<1x1x72x80xi32, #tpu.memory_space<hbm>>
      %dma_start3A_102 = tpu.memref_squeeze %dma_start3A_101 : memref<1x1x72x80xi32, #tpu.memory_space<hbm>> -> memref<72x80xi32, #tpu.memory_space<hbm>>
      tpu.enqueue_dma source(%dma_start3A_102 : memref<72x80xi32, #tpu.memory_space<hbm>>) target(%arg6 : memref<72x80xi32, #tpu.memory_space<vmem>>) target_semaphore(%run_scoped3A_94 : memref<!tpu.dma_semaphore, #tpu.memory_space<semaphore_mem>>)
      %dma_wait3A_103 = arith.constant 64 : i32
      %dma_wait3A_104 = arith.constant 0 : i32
      %dma_wait3A_105 = tpu.memref_slice %arg3[%run_scoped3A_55, %add3A, %dma_wait3A_103, %dma_wait3A_104] : memref<2x32x136x80xi32, #tpu.memory_space<hbm>> -> memref<1x1x72x80xi32, #tpu.memory_space<hbm>>
      %dma_wait3A_106 = tpu.memref_squeeze %dma_wait3A_105 : memref<1x1x72x80xi32, #tpu.memory_space<hbm>> -> memref<72x80xi32, #tpu.memory_space<hbm>>
      %dma_wait3A_107 = arith.constant 64 : i32
      %dma_wait3A_108 = arith.constant 0 : i32
      %dma_wait3A_109 = tpu.memref_slice %arg3[%run_scoped3A_55, %add3A, %dma_wait3A_107, %dma_wait3A_108] : memref<2x32x136x80xi32, #tpu.memory_space<hbm>> -> memref<1x1x72x80xi32, #tpu.memory_space<hbm>>
      %dma_wait3A_110 = tpu.memref_squeeze %dma_wait3A_109 : memref<1x1x72x80xi32, #tpu.memory_space<hbm>> -> memref<72x80xi32, #tpu.memory_space<hbm>>
      tpu.wait_dma2 semaphore(%run_scoped3A_94 : memref<!tpu.dma_semaphore, #tpu.memory_space<semaphore_mem>>) src(%dma_wait3A_110 : memref<72x80xi32, #tpu.memory_space<hbm>>) dst(%arg6 : memref<72x80xi32, #tpu.memory_space<vmem>>)
      tpu.yield
    }) : () -> ()
    %run_scoped3A_56 = arith.constant 0 : i32
    "tpu.region"() ({
      %run_scoped3A_94 = tpu.sem_alloc : memref<!tpu.dma_semaphore, #tpu.memory_space<semaphore_mem>>
      %dma_start3A_95 = arith.constant 0 : i32
      %dma_start3A_96 = tpu.memref_slice %arg7[%run_scoped3A_56, %dma_start3A_95] : memref<64x80xi32, #tpu.memory_space<vmem>> -> memref<1x80xi32, #tpu.memory_space<vmem>>
      %dma_start3A_97 = tpu.memref_squeeze %dma_start3A_96 : memref<1x80xi32, #tpu.memory_space<vmem>> -> memref<80xi32, #tpu.memory_space<vmem>>
      %dma_start3A_98 = arith.constant 0 : i32
      %dma_start3A_99 = arith.constant 0 : i32
      %dma_start3A_100 = tpu.memref_slice %arg11[%dma_start3A_98, %dma_start3A_99] : memref<10240x128xf32, #tpu.memory_space<vmem_shared>> -> memref<10240x128xf32, #tpu.memory_space<vmem_shared>>
      tpu.enqueue_indirect_dma source(%arg9 : memref<80x128xf32, #tpu.memory_space<vmem>>) target(%dma_start3A_100 : memref<10240x128xf32, #tpu.memory_space<vmem_shared>>) offsets(%dma_start3A_97 : memref<80xi32, #tpu.memory_space<vmem>>) semaphore(%run_scoped3A_94 : memref<!tpu.dma_semaphore, #tpu.memory_space<semaphore_mem>>) {add = true}
      %dma_wait3A_101 = arith.constant 0 : i32
      %dma_wait3A_102 = tpu.memref_slice %arg7[%run_scoped3A_56, %dma_wait3A_101] : memref<64x80xi32, #tpu.memory_space<vmem>> -> memref<1x80xi32, #tpu.memory_space<vmem>>
      %dma_wait3A_103 = tpu.memref_squeeze %dma_wait3A_102 : memref<1x80xi32, #tpu.memory_space<vmem>> -> memref<80xi32, #tpu.memory_space<vmem>>
      %dma_wait3A_104 = arith.constant 0 : i32
      %dma_wait3A_105 = arith.constant 0 : i32
      %dma_wait3A_106 = tpu.memref_slice %arg11[%dma_wait3A_104, %dma_wait3A_105] : memref<10240x128xf32, #tpu.memory_space<vmem_shared>> -> memref<10240x128xf32, #tpu.memory_space<vmem_shared>>
      tpu.wait_indirect_dma semaphore(%run_scoped3A_94 : memref<!tpu.dma_semaphore, #tpu.memory_space<semaphore_mem>>) src(%arg9 : memref<80x128xf32, #tpu.memory_space<vmem>>) dst(%dma_wait3A_106 : memref<10240x128xf32, #tpu.memory_space<vmem_shared>>)
      tpu.yield
    }) : () -> ()
    %dma_start3A_57 = arith.constant 3 : i32
    %dma_start3A_58 = arith.constant 0 : i32
    %dma_start3A_59 = tpu.memref_slice %arg6[%dma_start3A_57, %dma_start3A_58] : memref<72x80xi32, #tpu.memory_space<vmem>> -> memref<1x80xi32, #tpu.memory_space<vmem>>
    %dma_start3A_60 = tpu.memref_squeeze %dma_start3A_59 : memref<1x80xi32, #tpu.memory_space<vmem>> -> memref<80xi32, #tpu.memory_space<vmem>>
    %dma_start3A_61 = arith.constant 0 : i32
    %dma_start3A_62 = arith.constant 0 : i32
    %dma_start3A_63 = tpu.memref_slice %arg2[%dma_start3A_61, %dma_start3A_62] : memref<10240x128xf32, #tpu.memory_space<hbm>> -> memref<10240x128xf32, #tpu.memory_space<hbm>>
    tpu.enqueue_indirect_dma source(%dma_start3A_63 : memref<10240x128xf32, #tpu.memory_space<hbm>>) target(%arg9 : memref<80x128xf32, #tpu.memory_space<vmem>>) offsets(%dma_start3A_60 : memref<80xi32, #tpu.memory_space<vmem>>) semaphore(%arg13 : memref<!tpu.dma_semaphore, #tpu.memory_space<semaphore_mem>>)
    %run_scoped3A_64 = arith.constant 1 : i32
    "tpu.region"() ({
      %run_scoped3A_94 = tpu.sem_alloc : memref<!tpu.dma_semaphore, #tpu.memory_space<semaphore_mem>>
      %dma_start3A_95 = arith.constant 0 : i32
      %dma_start3A_96 = tpu.memref_slice %arg7[%run_scoped3A_64, %dma_start3A_95] : memref<64x80xi32, #tpu.memory_space<vmem>> -> memref<1x80xi32, #tpu.memory_space<vmem>>
      %dma_start3A_97 = tpu.memref_squeeze %dma_start3A_96 : memref<1x80xi32, #tpu.memory_space<vmem>> -> memref<80xi32, #tpu.memory_space<vmem>>
      %dma_start3A_98 = arith.constant 0 : i32
      %dma_start3A_99 = arith.constant 0 : i32
      %dma_start3A_100 = tpu.memref_slice %arg11[%dma_start3A_98, %dma_start3A_99] : memref<10240x128xf32, #tpu.memory_space<vmem_shared>> -> memref<10240x128xf32, #tpu.memory_space<vmem_shared>>
      tpu.enqueue_indirect_dma source(%arg10 : memref<80x128xf32, #tpu.memory_space<vmem>>) target(%dma_start3A_100 : memref<10240x128xf32, #tpu.memory_space<vmem_shared>>) offsets(%dma_start3A_97 : memref<80xi32, #tpu.memory_space<vmem>>) semaphore(%run_scoped3A_94 : memref<!tpu.dma_semaphore, #tpu.memory_space<semaphore_mem>>) {add = true}
      %dma_wait3A_101 = arith.constant 0 : i32
      %dma_wait3A_102 = tpu.memref_slice %arg7[%run_scoped3A_64, %dma_wait3A_101] : memref<64x80xi32, #tpu.memory_space<vmem>> -> memref<1x80xi32, #tpu.memory_space<vmem>>
      %dma_wait3A_103 = tpu.memref_squeeze %dma_wait3A_102 : memref<1x80xi32, #tpu.memory_space<vmem>> -> memref<80xi32, #tpu.memory_space<vmem>>
      %dma_wait3A_104 = arith.constant 0 : i32
      %dma_wait3A_105 = arith.constant 0 : i32
      %dma_wait3A_106 = tpu.memref_slice %arg11[%dma_wait3A_104, %dma_wait3A_105] : memref<10240x128xf32, #tpu.memory_space<vmem_shared>> -> memref<10240x128xf32, #tpu.memory_space<vmem_shared>>
      tpu.wait_indirect_dma semaphore(%run_scoped3A_94 : memref<!tpu.dma_semaphore, #tpu.memory_space<semaphore_mem>>) src(%arg10 : memref<80x128xf32, #tpu.memory_space<vmem>>) dst(%dma_wait3A_106 : memref<10240x128xf32, #tpu.memory_space<vmem_shared>>)
      tpu.yield
    }) : () -> ()
    %dma_start3A_65 = arith.constant 4 : i32
    %dma_start3A_66 = arith.constant 0 : i32
    %dma_start3A_67 = tpu.memref_slice %arg6[%dma_start3A_65, %dma_start3A_66] : memref<72x80xi32, #tpu.memory_space<vmem>> -> memref<1x80xi32, #tpu.memory_space<vmem>>
    %dma_start3A_68 = tpu.memref_squeeze %dma_start3A_67 : memref<1x80xi32, #tpu.memory_space<vmem>> -> memref<80xi32, #tpu.memory_space<vmem>>
    %dma_start3A_69 = arith.constant 0 : i32
    %dma_start3A_70 = arith.constant 0 : i32
    %dma_start3A_71 = tpu.memref_slice %arg2[%dma_start3A_69, %dma_start3A_70] : memref<10240x128xf32, #tpu.memory_space<hbm>> -> memref<10240x128xf32, #tpu.memory_space<hbm>>
    tpu.enqueue_indirect_dma source(%dma_start3A_71 : memref<10240x128xf32, #tpu.memory_space<hbm>>) target(%arg10 : memref<80x128xf32, #tpu.memory_space<vmem>>) offsets(%dma_start3A_68 : memref<80xi32, #tpu.memory_space<vmem>>) semaphore(%arg14 : memref<!tpu.dma_semaphore, #tpu.memory_space<semaphore_mem>>)
    %run_scoped3A_72 = arith.constant 2 : i32
    "tpu.region"() ({
      %run_scoped3A_94 = tpu.sem_alloc : memref<!tpu.dma_semaphore, #tpu.memory_space<semaphore_mem>>
      %dma_start3A_95 = arith.constant 0 : i32
      %dma_start3A_96 = tpu.memref_slice %arg7[%run_scoped3A_72, %dma_start3A_95] : memref<64x80xi32, #tpu.memory_space<vmem>> -> memref<1x80xi32, #tpu.memory_space<vmem>>
      %dma_start3A_97 = tpu.memref_squeeze %dma_start3A_96 : memref<1x80xi32, #tpu.memory_space<vmem>> -> memref<80xi32, #tpu.memory_space<vmem>>
      %dma_start3A_98 = arith.constant 0 : i32
      %dma_start3A_99 = arith.constant 0 : i32
      %dma_start3A_100 = tpu.memref_slice %arg11[%dma_start3A_98, %dma_start3A_99] : memref<10240x128xf32, #tpu.memory_space<vmem_shared>> -> memref<10240x128xf32, #tpu.memory_space<vmem_shared>>
      tpu.enqueue_indirect_dma source(%arg8 : memref<80x128xf32, #tpu.memory_space<vmem>>) target(%dma_start3A_100 : memref<10240x128xf32, #tpu.memory_space<vmem_shared>>) offsets(%dma_start3A_97 : memref<80xi32, #tpu.memory_space<vmem>>) semaphore(%run_scoped3A_94 : memref<!tpu.dma_semaphore, #tpu.memory_space<semaphore_mem>>) {add = true}
      %dma_wait3A_101 = arith.constant 0 : i32
      %dma_wait3A_102 = tpu.memref_slice %arg7[%run_scoped3A_72, %dma_wait3A_101] : memref<64x80xi32, #tpu.memory_space<vmem>> -> memref<1x80xi32, #tpu.memory_space<vmem>>
      %dma_wait3A_103 = tpu.memref_squeeze %dma_wait3A_102 : memref<1x80xi32, #tpu.memory_space<vmem>> -> memref<80xi32, #tpu.memory_space<vmem>>
      %dma_wait3A_104 = arith.constant 0 : i32
      %dma_wait3A_105 = arith.constant 0 : i32
      %dma_wait3A_106 = tpu.memref_slice %arg11[%dma_wait3A_104, %dma_wait3A_105] : memref<10240x128xf32, #tpu.memory_space<vmem_shared>> -> memref<10240x128xf32, #tpu.memory_space<vmem_shared>>
      tpu.wait_indirect_dma semaphore(%run_scoped3A_94 : memref<!tpu.dma_semaphore, #tpu.memory_space<semaphore_mem>>) src(%arg8 : memref<80x128xf32, #tpu.memory_space<vmem>>) dst(%dma_wait3A_106 : memref<10240x128xf32, #tpu.memory_space<vmem_shared>>)
      tpu.yield
    }) : () -> ()
    %dma_start3A_73 = arith.constant 5 : i32
    %dma_start3A_74 = arith.constant 0 : i32
    %dma_start3A_75 = tpu.memref_slice %arg6[%dma_start3A_73, %dma_start3A_74] : memref<72x80xi32, #tpu.memory_space<vmem>> -> memref<1x80xi32, #tpu.memory_space<vmem>>
    %dma_start3A_76 = tpu.memref_squeeze %dma_start3A_75 : memref<1x80xi32, #tpu.memory_space<vmem>> -> memref<80xi32, #tpu.memory_space<vmem>>
    %dma_start3A_77 = arith.constant 0 : i32
    %dma_start3A_78 = arith.constant 0 : i32
    %dma_start3A_79 = tpu.memref_slice %arg2[%dma_start3A_77, %dma_start3A_78] : memref<10240x128xf32, #tpu.memory_space<hbm>> -> memref<10240x128xf32, #tpu.memory_space<hbm>>
    tpu.enqueue_indirect_dma source(%dma_start3A_79 : memref<10240x128xf32, #tpu.memory_space<hbm>>) target(%arg8 : memref<80x128xf32, #tpu.memory_space<vmem>>) offsets(%dma_start3A_76 : memref<80xi32, #tpu.memory_space<vmem>>) semaphore(%arg12 : memref<!tpu.dma_semaphore, #tpu.memory_space<semaphore_mem>>)
    %scan3A_80 = arith.constant 0 : i32
    %scan3A_81 = arith.constant 0 : i32
    %scan3A_82 = arith.constant 20 : i32
    %scan3A_83 = arith.addi %scan3A_81, %scan3A_82 : i32
    %scan3A_84 = arith.constant 1 : i32
    scf.for %scan3A_94 = %scan3A_81 to %scan3A_83 step %scan3A_84  : i32 {
      %mul3A_95 = arith.constant 3 : i32
      %mul3A_96 = arith.muli %scan3A_94, %mul3A_95 : i32
      %add3A_97 = arith.constant 67 : i32
      %add3A_98 = arith.addi %add3A_97, %mul3A_96 : i32
      %add3A_99 = arith.constant 0 : i32
      %add3A_100 = arith.addi %add3A_98, %add3A_99 : i32
      %lt3A = arith.constant 125 : i32
      %lt3A_101 = arith.cmpi slt, %add3A_100, %lt3A : i32
      %convert_element_type3A_102 = arith.extui %lt3A_101 : i1 to i32
      %cond3A_103 = arith.constant 0 : i32
      %cond3A_104 = arith.cmpi ne, %convert_element_type3A_102, %cond3A_103 : i32
      scf.if %cond3A_104 {
        %sub3A = arith.constant 64 : i32
        %sub3A_127 = arith.subi %add3A_100, %sub3A : i32
        %dma_wait3A_128 = arith.constant 0 : i32
        %dma_wait3A_129 = tpu.memref_slice %arg6[%sub3A_127, %dma_wait3A_128] : memref<72x80xi32, #tpu.memory_space<vmem>> -> memref<1x80xi32, #tpu.memory_space<vmem>>
        %dma_wait3A_130 = tpu.memref_squeeze %dma_wait3A_129 : memref<1x80xi32, #tpu.memory_space<vmem>> -> memref<80xi32, #tpu.memory_space<vmem>>
        %dma_wait3A_131 = arith.constant 0 : i32
        %dma_wait3A_132 = arith.constant 0 : i32
        %dma_wait3A_133 = tpu.memref_slice %arg2[%dma_wait3A_131, %dma_wait3A_132] : memref<10240x128xf32, #tpu.memory_space<hbm>> -> memref<10240x128xf32, #tpu.memory_space<hbm>>
        tpu.wait_indirect_dma semaphore(%arg13 : memref<!tpu.dma_semaphore, #tpu.memory_space<semaphore_mem>>) src(%dma_wait3A_133 : memref<10240x128xf32, #tpu.memory_space<hbm>>) dst(%arg9 : memref<80x128xf32, #tpu.memory_space<vmem>>)
        %sub3A_134 = arith.constant 64 : i32
        %sub3A_135 = arith.subi %add3A_100, %sub3A_134 : i32
        "tpu.region"() ({
          %run_scoped3A_143 = tpu.sem_alloc : memref<!tpu.dma_semaphore, #tpu.memory_space<semaphore_mem>>
          %dma_start3A_144 = arith.constant 0 : i32
          %dma_start3A_145 = tpu.memref_slice %arg7[%sub3A_135, %dma_start3A_144] : memref<64x80xi32, #tpu.memory_space<vmem>> -> memref<1x80xi32, #tpu.memory_space<vmem>>
          %dma_start3A_146 = tpu.memref_squeeze %dma_start3A_145 : memref<1x80xi32, #tpu.memory_space<vmem>> -> memref<80xi32, #tpu.memory_space<vmem>>
          %dma_start3A_147 = arith.constant 0 : i32
          %dma_start3A_148 = arith.constant 0 : i32
          %dma_start3A_149 = tpu.memref_slice %arg11[%dma_start3A_147, %dma_start3A_148] : memref<10240x128xf32, #tpu.memory_space<vmem_shared>> -> memref<10240x128xf32, #tpu.memory_space<vmem_shared>>
          tpu.enqueue_indirect_dma source(%arg9 : memref<80x128xf32, #tpu.memory_space<vmem>>) target(%dma_start3A_149 : memref<10240x128xf32, #tpu.memory_space<vmem_shared>>) offsets(%dma_start3A_146 : memref<80xi32, #tpu.memory_space<vmem>>) semaphore(%run_scoped3A_143 : memref<!tpu.dma_semaphore, #tpu.memory_space<semaphore_mem>>) {add = true}
          %dma_wait3A_150 = arith.constant 0 : i32
          %dma_wait3A_151 = tpu.memref_slice %arg7[%sub3A_135, %dma_wait3A_150] : memref<64x80xi32, #tpu.memory_space<vmem>> -> memref<1x80xi32, #tpu.memory_space<vmem>>
          %dma_wait3A_152 = tpu.memref_squeeze %dma_wait3A_151 : memref<1x80xi32, #tpu.memory_space<vmem>> -> memref<80xi32, #tpu.memory_space<vmem>>
          %dma_wait3A_153 = arith.constant 0 : i32
          %dma_wait3A_154 = arith.constant 0 : i32
          %dma_wait3A_155 = tpu.memref_slice %arg11[%dma_wait3A_153, %dma_wait3A_154] : memref<10240x128xf32, #tpu.memory_space<vmem_shared>> -> memref<10240x128xf32, #tpu.memory_space<vmem_shared>>
          tpu.wait_indirect_dma semaphore(%run_scoped3A_143 : memref<!tpu.dma_semaphore, #tpu.memory_space<semaphore_mem>>) src(%arg9 : memref<80x128xf32, #tpu.memory_space<vmem>>) dst(%dma_wait3A_155 : memref<10240x128xf32, #tpu.memory_space<vmem_shared>>)
          tpu.yield
        }) : () -> ()
        %add3A_136 = arith.constant 3 : i32
        %add3A_137 = arith.addi %add3A_100, %add3A_136 : i32
        %lt3A_138 = arith.constant 125 : i32
        %lt3A_139 = arith.cmpi slt, %add3A_137, %lt3A_138 : i32
        %convert_element_type3A_140 = arith.extui %lt3A_139 : i1 to i32
        %cond3A_141 = arith.constant 0 : i32
        %cond3A_142 = arith.cmpi ne, %convert_element_type3A_140, %cond3A_141 : i32
        scf.if %cond3A_142 {
          %add3A_143 = arith.constant 3 : i32
          %add3A_144 = arith.addi %add3A_100, %add3A_143 : i32
          %sub3A_145 = arith.constant 64 : i32
          %sub3A_146 = arith.subi %add3A_144, %sub3A_145 : i32
          %dma_start3A_147 = arith.constant 0 : i32
          %dma_start3A_148 = tpu.memref_slice %arg6[%sub3A_146, %dma_start3A_147] : memref<72x80xi32, #tpu.memory_space<vmem>> -> memref<1x80xi32, #tpu.memory_space<vmem>>
          %dma_start3A_149 = tpu.memref_squeeze %dma_start3A_148 : memref<1x80xi32, #tpu.memory_space<vmem>> -> memref<80xi32, #tpu.memory_space<vmem>>
          %dma_start3A_150 = arith.constant 0 : i32
          %dma_start3A_151 = arith.constant 0 : i32
          %dma_start3A_152 = tpu.memref_slice %arg2[%dma_start3A_150, %dma_start3A_151] : memref<10240x128xf32, #tpu.memory_space<hbm>> -> memref<10240x128xf32, #tpu.memory_space<hbm>>
          tpu.enqueue_indirect_dma source(%dma_start3A_152 : memref<10240x128xf32, #tpu.memory_space<hbm>>) target(%arg9 : memref<80x128xf32, #tpu.memory_space<vmem>>) offsets(%dma_start3A_149 : memref<80xi32, #tpu.memory_space<vmem>>) semaphore(%arg13 : memref<!tpu.dma_semaphore, #tpu.memory_space<semaphore_mem>>)
        } else {
        }
      } else {
      }
      %mul3A_105 = arith.constant 3 : i32
      %mul3A_106 = arith.muli %scan3A_94, %mul3A_105 : i32
      %add3A_107 = arith.constant 67 : i32
      %add3A_108 = arith.addi %add3A_107, %mul3A_106 : i32
      %add3A_109 = arith.constant 1 : i32
      %add3A_110 = arith.addi %add3A_108, %add3A_109 : i32
      %lt3A_111 = arith.constant 125 : i32
      %lt3A_112 = arith.cmpi slt, %add3A_110, %lt3A_111 : i32
      %convert_element_type3A_113 = arith.extui %lt3A_112 : i1 to i32
      %cond3A_114 = arith.constant 0 : i32
      %cond3A_115 = arith.cmpi ne, %convert_element_type3A_113, %cond3A_114 : i32
      scf.if %cond3A_115 {
        %sub3A = arith.constant 64 : i32
        %sub3A_127 = arith.subi %add3A_110, %sub3A : i32
        %dma_wait3A_128 = arith.constant 0 : i32
        %dma_wait3A_129 = tpu.memref_slice %arg6[%sub3A_127, %dma_wait3A_128] : memref<72x80xi32, #tpu.memory_space<vmem>> -> memref<1x80xi32, #tpu.memory_space<vmem>>
        %dma_wait3A_130 = tpu.memref_squeeze %dma_wait3A_129 : memref<1x80xi32, #tpu.memory_space<vmem>> -> memref<80xi32, #tpu.memory_space<vmem>>
        %dma_wait3A_131 = arith.constant 0 : i32
        %dma_wait3A_132 = arith.constant 0 : i32
        %dma_wait3A_133 = tpu.memref_slice %arg2[%dma_wait3A_131, %dma_wait3A_132] : memref<10240x128xf32, #tpu.memory_space<hbm>> -> memref<10240x128xf32, #tpu.memory_space<hbm>>
        tpu.wait_indirect_dma semaphore(%arg14 : memref<!tpu.dma_semaphore, #tpu.memory_space<semaphore_mem>>) src(%dma_wait3A_133 : memref<10240x128xf32, #tpu.memory_space<hbm>>) dst(%arg10 : memref<80x128xf32, #tpu.memory_space<vmem>>)
        %sub3A_134 = arith.constant 64 : i32
        %sub3A_135 = arith.subi %add3A_110, %sub3A_134 : i32
        "tpu.region"() ({
          %run_scoped3A_143 = tpu.sem_alloc : memref<!tpu.dma_semaphore, #tpu.memory_space<semaphore_mem>>
          %dma_start3A_144 = arith.constant 0 : i32
          %dma_start3A_145 = tpu.memref_slice %arg7[%sub3A_135, %dma_start3A_144] : memref<64x80xi32, #tpu.memory_space<vmem>> -> memref<1x80xi32, #tpu.memory_space<vmem>>
          %dma_start3A_146 = tpu.memref_squeeze %dma_start3A_145 : memref<1x80xi32, #tpu.memory_space<vmem>> -> memref<80xi32, #tpu.memory_space<vmem>>
          %dma_start3A_147 = arith.constant 0 : i32
          %dma_start3A_148 = arith.constant 0 : i32
          %dma_start3A_149 = tpu.memref_slice %arg11[%dma_start3A_147, %dma_start3A_148] : memref<10240x128xf32, #tpu.memory_space<vmem_shared>> -> memref<10240x128xf32, #tpu.memory_space<vmem_shared>>
          tpu.enqueue_indirect_dma source(%arg10 : memref<80x128xf32, #tpu.memory_space<vmem>>) target(%dma_start3A_149 : memref<10240x128xf32, #tpu.memory_space<vmem_shared>>) offsets(%dma_start3A_146 : memref<80xi32, #tpu.memory_space<vmem>>) semaphore(%run_scoped3A_143 : memref<!tpu.dma_semaphore, #tpu.memory_space<semaphore_mem>>) {add = true}
          %dma_wait3A_150 = arith.constant 0 : i32
          %dma_wait3A_151 = tpu.memref_slice %arg7[%sub3A_135, %dma_wait3A_150] : memref<64x80xi32, #tpu.memory_space<vmem>> -> memref<1x80xi32, #tpu.memory_space<vmem>>
          %dma_wait3A_152 = tpu.memref_squeeze %dma_wait3A_151 : memref<1x80xi32, #tpu.memory_space<vmem>> -> memref<80xi32, #tpu.memory_space<vmem>>
          %dma_wait3A_153 = arith.constant 0 : i32
          %dma_wait3A_154 = arith.constant 0 : i32
          %dma_wait3A_155 = tpu.memref_slice %arg11[%dma_wait3A_153, %dma_wait3A_154] : memref<10240x128xf32, #tpu.memory_space<vmem_shared>> -> memref<10240x128xf32, #tpu.memory_space<vmem_shared>>
          tpu.wait_indirect_dma semaphore(%run_scoped3A_143 : memref<!tpu.dma_semaphore, #tpu.memory_space<semaphore_mem>>) src(%arg10 : memref<80x128xf32, #tpu.memory_space<vmem>>) dst(%dma_wait3A_155 : memref<10240x128xf32, #tpu.memory_space<vmem_shared>>)
          tpu.yield
        }) : () -> ()
        %add3A_136 = arith.constant 3 : i32
        %add3A_137 = arith.addi %add3A_110, %add3A_136 : i32
        %lt3A_138 = arith.constant 125 : i32
        %lt3A_139 = arith.cmpi slt, %add3A_137, %lt3A_138 : i32
        %convert_element_type3A_140 = arith.extui %lt3A_139 : i1 to i32
        %cond3A_141 = arith.constant 0 : i32
        %cond3A_142 = arith.cmpi ne, %convert_element_type3A_140, %cond3A_141 : i32
        scf.if %cond3A_142 {
          %add3A_143 = arith.constant 3 : i32
          %add3A_144 = arith.addi %add3A_110, %add3A_143 : i32
          %sub3A_145 = arith.constant 64 : i32
          %sub3A_146 = arith.subi %add3A_144, %sub3A_145 : i32
          %dma_start3A_147 = arith.constant 0 : i32
          %dma_start3A_148 = tpu.memref_slice %arg6[%sub3A_146, %dma_start3A_147] : memref<72x80xi32, #tpu.memory_space<vmem>> -> memref<1x80xi32, #tpu.memory_space<vmem>>
          %dma_start3A_149 = tpu.memref_squeeze %dma_start3A_148 : memref<1x80xi32, #tpu.memory_space<vmem>> -> memref<80xi32, #tpu.memory_space<vmem>>
          %dma_start3A_150 = arith.constant 0 : i32
          %dma_start3A_151 = arith.constant 0 : i32
          %dma_start3A_152 = tpu.memref_slice %arg2[%dma_start3A_150, %dma_start3A_151] : memref<10240x128xf32, #tpu.memory_space<hbm>> -> memref<10240x128xf32, #tpu.memory_space<hbm>>
          tpu.enqueue_indirect_dma source(%dma_start3A_152 : memref<10240x128xf32, #tpu.memory_space<hbm>>) target(%arg10 : memref<80x128xf32, #tpu.memory_space<vmem>>) offsets(%dma_start3A_149 : memref<80xi32, #tpu.memory_space<vmem>>) semaphore(%arg14 : memref<!tpu.dma_semaphore, #tpu.memory_space<semaphore_mem>>)
        } else {
        }
      } else {
      }
      %mul3A_116 = arith.constant 3 : i32
      %mul3A_117 = arith.muli %scan3A_94, %mul3A_116 : i32
      %add3A_118 = arith.constant 67 : i32
      %add3A_119 = arith.addi %add3A_118, %mul3A_117 : i32
      %add3A_120 = arith.constant 2 : i32
      %add3A_121 = arith.addi %add3A_119, %add3A_120 : i32
      %lt3A_122 = arith.constant 125 : i32
      %lt3A_123 = arith.cmpi slt, %add3A_121, %lt3A_122 : i32
      %convert_element_type3A_124 = arith.extui %lt3A_123 : i1 to i32
      %cond3A_125 = arith.constant 0 : i32
      %cond3A_126 = arith.cmpi ne, %convert_element_type3A_124, %cond3A_125 : i32
      scf.if %cond3A_126 {
        %sub3A = arith.constant 64 : i32
        %sub3A_127 = arith.subi %add3A_121, %sub3A : i32
        %dma_wait3A_128 = arith.constant 0 : i32
        %dma_wait3A_129 = tpu.memref_slice %arg6[%sub3A_127, %dma_wait3A_128] : memref<72x80xi32, #tpu.memory_space<vmem>> -> memref<1x80xi32, #tpu.memory_space<vmem>>
        %dma_wait3A_130 = tpu.memref_squeeze %dma_wait3A_129 : memref<1x80xi32, #tpu.memory_space<vmem>> -> memref<80xi32, #tpu.memory_space<vmem>>
        %dma_wait3A_131 = arith.constant 0 : i32
        %dma_wait3A_132 = arith.constant 0 : i32
        %dma_wait3A_133 = tpu.memref_slice %arg2[%dma_wait3A_131, %dma_wait3A_132] : memref<10240x128xf32, #tpu.memory_space<hbm>> -> memref<10240x128xf32, #tpu.memory_space<hbm>>
        tpu.wait_indirect_dma semaphore(%arg12 : memref<!tpu.dma_semaphore, #tpu.memory_space<semaphore_mem>>) src(%dma_wait3A_133 : memref<10240x128xf32, #tpu.memory_space<hbm>>) dst(%arg8 : memref<80x128xf32, #tpu.memory_space<vmem>>)
        %sub3A_134 = arith.constant 64 : i32
        %sub3A_135 = arith.subi %add3A_121, %sub3A_134 : i32
        "tpu.region"() ({
          %run_scoped3A_143 = tpu.sem_alloc : memref<!tpu.dma_semaphore, #tpu.memory_space<semaphore_mem>>
          %dma_start3A_144 = arith.constant 0 : i32
          %dma_start3A_145 = tpu.memref_slice %arg7[%sub3A_135, %dma_start3A_144] : memref<64x80xi32, #tpu.memory_space<vmem>> -> memref<1x80xi32, #tpu.memory_space<vmem>>
          %dma_start3A_146 = tpu.memref_squeeze %dma_start3A_145 : memref<1x80xi32, #tpu.memory_space<vmem>> -> memref<80xi32, #tpu.memory_space<vmem>>
          %dma_start3A_147 = arith.constant 0 : i32
          %dma_start3A_148 = arith.constant 0 : i32
          %dma_start3A_149 = tpu.memref_slice %arg11[%dma_start3A_147, %dma_start3A_148] : memref<10240x128xf32, #tpu.memory_space<vmem_shared>> -> memref<10240x128xf32, #tpu.memory_space<vmem_shared>>
          tpu.enqueue_indirect_dma source(%arg8 : memref<80x128xf32, #tpu.memory_space<vmem>>) target(%dma_start3A_149 : memref<10240x128xf32, #tpu.memory_space<vmem_shared>>) offsets(%dma_start3A_146 : memref<80xi32, #tpu.memory_space<vmem>>) semaphore(%run_scoped3A_143 : memref<!tpu.dma_semaphore, #tpu.memory_space<semaphore_mem>>) {add = true}
          %dma_wait3A_150 = arith.constant 0 : i32
          %dma_wait3A_151 = tpu.memref_slice %arg7[%sub3A_135, %dma_wait3A_150] : memref<64x80xi32, #tpu.memory_space<vmem>> -> memref<1x80xi32, #tpu.memory_space<vmem>>
          %dma_wait3A_152 = tpu.memref_squeeze %dma_wait3A_151 : memref<1x80xi32, #tpu.memory_space<vmem>> -> memref<80xi32, #tpu.memory_space<vmem>>
          %dma_wait3A_153 = arith.constant 0 : i32
          %dma_wait3A_154 = arith.constant 0 : i32
          %dma_wait3A_155 = tpu.memref_slice %arg11[%dma_wait3A_153, %dma_wait3A_154] : memref<10240x128xf32, #tpu.memory_space<vmem_shared>> -> memref<10240x128xf32, #tpu.memory_space<vmem_shared>>
          tpu.wait_indirect_dma semaphore(%run_scoped3A_143 : memref<!tpu.dma_semaphore, #tpu.memory_space<semaphore_mem>>) src(%arg8 : memref<80x128xf32, #tpu.memory_space<vmem>>) dst(%dma_wait3A_155 : memref<10240x128xf32, #tpu.memory_space<vmem_shared>>)
          tpu.yield
        }) : () -> ()
        %add3A_136 = arith.constant 3 : i32
        %add3A_137 = arith.addi %add3A_121, %add3A_136 : i32
        %lt3A_138 = arith.constant 125 : i32
        %lt3A_139 = arith.cmpi slt, %add3A_137, %lt3A_138 : i32
        %convert_element_type3A_140 = arith.extui %lt3A_139 : i1 to i32
        %cond3A_141 = arith.constant 0 : i32
        %cond3A_142 = arith.cmpi ne, %convert_element_type3A_140, %cond3A_141 : i32
        scf.if %cond3A_142 {
          %add3A_143 = arith.constant 3 : i32
          %add3A_144 = arith.addi %add3A_121, %add3A_143 : i32
          %sub3A_145 = arith.constant 64 : i32
          %sub3A_146 = arith.subi %add3A_144, %sub3A_145 : i32
          %dma_start3A_147 = arith.constant 0 : i32
          %dma_start3A_148 = tpu.memref_slice %arg6[%sub3A_146, %dma_start3A_147] : memref<72x80xi32, #tpu.memory_space<vmem>> -> memref<1x80xi32, #tpu.memory_space<vmem>>
          %dma_start3A_149 = tpu.memref_squeeze %dma_start3A_148 : memref<1x80xi32, #tpu.memory_space<vmem>> -> memref<80xi32, #tpu.memory_space<vmem>>
          %dma_start3A_150 = arith.constant 0 : i32
          %dma_start3A_151 = arith.constant 0 : i32
          %dma_start3A_152 = tpu.memref_slice %arg2[%dma_start3A_150, %dma_start3A_151] : memref<10240x128xf32, #tpu.memory_space<hbm>> -> memref<10240x128xf32, #tpu.memory_space<hbm>>
          tpu.enqueue_indirect_dma source(%dma_start3A_152 : memref<10240x128xf32, #tpu.memory_space<hbm>>) target(%arg8 : memref<80x128xf32, #tpu.memory_space<vmem>>) offsets(%dma_start3A_149 : memref<80xi32, #tpu.memory_space<vmem>>) semaphore(%arg12 : memref<!tpu.dma_semaphore, #tpu.memory_space<semaphore_mem>>)
        } else {
        }
      } else {
      }
    }
    %scan3A_85 = arith.constant 20 : i32
    %barrier3A_86 = arith.constant 0 : index
    tpu.barrier barrier_id(%barrier3A_86)
    %mul3A_87 = arith.constant 640 : i32
    %mul3A_88 = arith.muli %arg1, %mul3A_87 : i32
    %mul3A_89 = arith.constant 10240 : i32
    %mul3A_90 = arith.muli %arg0, %mul3A_89 : i32
    %mul3A_91 = arith.constant 640 : i32
    %mul3A_92 = arith.muli %arg1, %mul3A_91 : i32
    %add3A_93 = arith.addi %mul3A_90, %mul3A_92 : i32
    "tpu.region"() ({
      %run_scoped3A_94 = tpu.sem_alloc : memref<!tpu.dma_semaphore, #tpu.memory_space<semaphore_mem>>
      %dma_start3A_95 = arith.constant 0 : i32
      %dma_start3A_96 = tpu.memref_slice %arg5[%add3A_93, %dma_start3A_95] : memref<20480x128xf32, #tpu.memory_space<hbm>> -> memref<640x128xf32, #tpu.memory_space<hbm>>
      %dma_start3A_97 = arith.constant 0 : i32
      %dma_start3A_98 = tpu.memref_slice %arg11[%mul3A_88, %dma_start3A_97] : memref<10240x128xf32, #tpu.memory_space<vmem_shared>> -> memref<640x128xf32, #tpu.memory_space<vmem_shared>>
      tpu.enqueue_dma source(%dma_start3A_98 : memref<640x128xf32, #tpu.memory_space<vmem_shared>>) target(%dma_start3A_96 : memref<640x128xf32, #tpu.memory_space<hbm>>) target_semaphore(%run_scoped3A_94 : memref<!tpu.dma_semaphore, #tpu.memory_space<semaphore_mem>>)
      %dma_wait3A_99 = arith.constant 0 : i32
      %dma_wait3A_100 = tpu.memref_slice %arg5[%add3A_93, %dma_wait3A_99] : memref<20480x128xf32, #tpu.memory_space<hbm>> -> memref<640x128xf32, #tpu.memory_space<hbm>>
      %dma_wait3A_101 = arith.constant 0 : i32
      %dma_wait3A_102 = tpu.memref_slice %arg11[%mul3A_88, %dma_wait3A_101] : memref<10240x128xf32, #tpu.memory_space<vmem_shared>> -> memref<640x128xf32, #tpu.memory_space<vmem_shared>>
      tpu.wait_dma2 semaphore(%run_scoped3A_94 : memref<!tpu.dma_semaphore, #tpu.memory_space<semaphore_mem>>) src(%dma_wait3A_102 : memref<640x128xf32, #tpu.memory_space<vmem_shared>>) dst(%dma_wait3A_100 : memref<640x128xf32, #tpu.memory_space<hbm>>)
      tpu.yield
    }) : () -> ()
    return
  }
}

module attributes {stable_mosaic.version = 14 : i64} {
  func.func @_scale_body(%arg0: i32, %arg1: memref<1024x128xf32, #tpu.memory_space<vmem>>, %arg2: memref<128x128xf32, #tpu.memory_space<vmem>>, %arg3: memref<1024x1xf32, #tpu.memory_space<vmem>>, %arg4: memref<1024x1xf32, #tpu.memory_space<vmem>>, %arg5: memref<1024x128xf32, #tpu.memory_space<vmem>>, %arg6: memref<1024x1xf32, #tpu.memory_space<vmem>>) attributes {dimension_semantics = [#tpu.dimension_semantics<arbitrary>], iteration_bounds = array<i64: 10>, scalar_prefetch = 0 : i64, scratch_operands = 0 : i64, tpu.core_type = #tpu.core_type<tc>, window_params = [{transform_indices = @transform_0, window_bounds = array<i64: 1024, 128>}, {pipeline_mode = #tpu.pipeline_mode<synchronous>, transform_indices = @transform_1, window_bounds = array<i64: 128, 128>}, {transform_indices = @transform_2, window_bounds = array<i64: 1024, 1>}, {transform_indices = @transform_3, window_bounds = array<i64: 1024, 1>}, {transform_indices = @transform_4, window_bounds = array<i64: 1024, 128>}, {transform_indices = @transform_5, window_bounds = array<i64: 1024, 1>}]} {
    %get3A = arith.constant 0 : index
    %get3A_0 = arith.constant 0 : index
    %get3A_1 = vector.load %arg1[%get3A, %get3A_0] : memref<1024x128xf32, #tpu.memory_space<vmem>>, vector<1024x128xf32>
    %get3A_2 = arith.constant 0 : index
    %get3A_3 = arith.constant 0 : index
    %get3A_4 = vector.load %arg2[%get3A_2, %get3A_3] : memref<128x128xf32, #tpu.memory_space<vmem>>, vector<128x128xf32>
    %dot_general3A = arith.constant dense<0.000000e+00> : vector<1024x128xf32>
    %dot_general3A_5 = tpu.matmul %get3A_1, %get3A_4, %dot_general3A {dimension_numbers = #tpu.dot_dimension_numbers<[1], [0], [0], [1], [0, 0, 1, 1], [], []>, transpose_lhs_hint = false} : vector<1024x128xf32>, vector<128x128xf32>, vector<1024x128xf32> -> vector<1024x128xf32>
    %get3A_6 = arith.constant 0 : index
    %get3A_7 = arith.constant 0 : index
    %get3A_8 = vector.load %arg3[%get3A_6, %get3A_7] : memref<1024x1xf32, #tpu.memory_space<vmem>>, vector<1024x1xf32>
    %get3A_9 = arith.constant 0 : index
    %get3A_10 = arith.constant 0 : index
    %get3A_11 = vector.load %arg4[%get3A_9, %get3A_10] : memref<1024x1xf32, #tpu.memory_space<vmem>>, vector<1024x1xf32>
    %add3A = arith.addf %get3A_8, %get3A_11 : vector<1024x1xf32>
    %rsqrt3A = math.rsqrt %add3A : vector<1024x1xf32>
    %mul3A = vector.broadcast %rsqrt3A : vector<1024x1xf32> to vector<1024x128xf32>
    %mul3A_12 = arith.mulf %dot_general3A_5, %mul3A : vector<1024x128xf32>
    %swap3A = arith.constant 0 : index
    %swap3A_13 = arith.constant 0 : index
    %swap3A_14 = vector.load %arg5[%swap3A, %swap3A_13] : memref<1024x128xf32, #tpu.memory_space<vmem>>, vector<1024x128xf32>
    tpu.vector_store %arg5[%swap3A, %swap3A_13], %mul3A_12 {strides = array<i32>} : memref<1024x128xf32, #tpu.memory_space<vmem>>, vector<1024x128xf32>,
    %swap3A_15 = arith.constant 0 : index
    %swap3A_16 = arith.constant 0 : index
    %swap3A_17 = vector.load %arg6[%swap3A_15, %swap3A_16] : memref<1024x1xf32, #tpu.memory_space<vmem>>, vector<1024x1xf32>
    tpu.vector_store %arg6[%swap3A_15, %swap3A_16], %rsqrt3A {strides = array<i32>} : memref<1024x1xf32, #tpu.memory_space<vmem>>, vector<1024x1xf32>,
    return
  }
  func.func @transform_0(%arg0: i32) -> (i32, i32) {
    %c0_i32 = arith.constant 0 : i32
    %c0_i32_0 = arith.constant 0 : i32
    return %arg0, %c0_i32 : i32, i32
  }
  func.func @transform_1(%arg0: i32) -> (i32, i32) {
    %c0_i32 = arith.constant 0 : i32
    %c0_i32_0 = arith.constant 0 : i32
    %c0_i32_1 = arith.constant 0 : i32
    return %c0_i32, %c0_i32_0 : i32, i32
  }
  func.func @transform_2(%arg0: i32) -> (i32, i32) {
    %c0_i32 = arith.constant 0 : i32
    %c0_i32_0 = arith.constant 0 : i32
    return %arg0, %c0_i32 : i32, i32
  }
  func.func @transform_3(%arg0: i32) -> (i32, i32) {
    %add3A = arith.constant 10 : i32
    %add3A_0 = arith.addi %add3A, %arg0 : i32
    %c0_i32 = arith.constant 0 : i32
    %c0_i32_1 = arith.constant 0 : i32
    return %add3A_0, %c0_i32 : i32, i32
  }
  func.func @transform_4(%arg0: i32) -> (i32, i32) {
    %c0_i32 = arith.constant 0 : i32
    %c0_i32_0 = arith.constant 0 : i32
    return %arg0, %c0_i32 : i32, i32
  }
  func.func @transform_5(%arg0: i32) -> (i32, i32) {
    %c0_i32 = arith.constant 0 : i32
    %c0_i32_0 = arith.constant 0 : i32
    return %arg0, %c0_i32 : i32, i32
  }
}

module attributes {stable_mosaic.version = 14 : i64} {
  func.func @_combine_body(%arg0: i32, %arg1: memref<1024x128xf32, #tpu.memory_space<vmem>>, %arg2: memref<1024x128xf32, #tpu.memory_space<vmem>>, %arg3: memref<1024x1xf32, #tpu.memory_space<vmem>>, %arg4: memref<1024x128xf32, #tpu.memory_space<vmem>>) attributes {dimension_semantics = [#tpu.dimension_semantics<arbitrary>], iteration_bounds = array<i64: 10>, scalar_prefetch = 0 : i64, scratch_operands = 0 : i64, tpu.core_type = #tpu.core_type<tc>, window_params = [{transform_indices = @transform_0, window_bounds = array<i64: 1024, 128>}, {transform_indices = @transform_1, window_bounds = array<i64: 1024, 128>}, {transform_indices = @transform_2, window_bounds = array<i64: 1024, 1>}, {transform_indices = @transform_3, window_bounds = array<i64: 1024, 128>}]} {
    %get3A = arith.constant 0 : index
    %get3A_0 = arith.constant 0 : index
    %get3A_1 = vector.load %arg3[%get3A, %get3A_0] : memref<1024x1xf32, #tpu.memory_space<vmem>>, vector<1024x1xf32>
    %get3A_2 = arith.constant 0 : index
    %get3A_3 = arith.constant 0 : index
    %get3A_4 = vector.load %arg1[%get3A_2, %get3A_3] : memref<1024x128xf32, #tpu.memory_space<vmem>>, vector<1024x128xf32>
    %get3A_5 = arith.constant 0 : index
    %get3A_6 = arith.constant 0 : index
    %get3A_7 = vector.load %arg2[%get3A_5, %get3A_6] : memref<1024x128xf32, #tpu.memory_space<vmem>>, vector<1024x128xf32>
    %add3A = arith.addf %get3A_4, %get3A_7 : vector<1024x128xf32>
    %mul3A = vector.broadcast %get3A_1 : vector<1024x1xf32> to vector<1024x128xf32>
    %mul3A_8 = arith.mulf %mul3A, %add3A : vector<1024x128xf32>
    %swap3A = arith.constant 0 : index
    %swap3A_9 = arith.constant 0 : index
    %swap3A_10 = vector.load %arg4[%swap3A, %swap3A_9] : memref<1024x128xf32, #tpu.memory_space<vmem>>, vector<1024x128xf32>
    tpu.vector_store %arg4[%swap3A, %swap3A_9], %mul3A_8 {strides = array<i32>} : memref<1024x128xf32, #tpu.memory_space<vmem>>, vector<1024x128xf32>,
    return
  }
  func.func @transform_0(%arg0: i32) -> (i32, i32) {
    %c0_i32 = arith.constant 0 : i32
    %c0_i32_0 = arith.constant 0 : i32
    return %arg0, %c0_i32 : i32, i32
  }
  func.func @transform_1(%arg0: i32) -> (i32, i32) {
    %add3A = arith.constant 10 : i32
    %add3A_0 = arith.addi %add3A, %arg0 : i32
    %c0_i32 = arith.constant 0 : i32
    %c0_i32_1 = arith.constant 0 : i32
    return %add3A_0, %c0_i32 : i32, i32
  }
  func.func @transform_2(%arg0: i32) -> (i32, i32) {
    %c0_i32 = arith.constant 0 : i32
    %c0_i32_0 = arith.constant 0 : i32
    return %arg0, %c0_i32 : i32, i32
  }
  func.func @transform_3(%arg0: i32) -> (i32, i32) {
    %c0_i32 = arith.constant 0 : i32
    %c0_i32_0 = arith.constant 0 : i32
    return %arg0, %c0_i32 : i32, i32
  }
}

</mosaic_0001>

<sc_bundles>
// kernel: kernel.6.cloned.1.call-start
scs
__scs_entry_jumppad:
0x0: {  	(pc) =	sbr.rel $0x88, $3  }
0x1: {  	(tag) =	ssettag $0x0;
	lr =	simm.s32 $0x1  }
0x2: {  	[smem:$0x3F9E] =	sst lr;
	_ =	strace $0xD0000000  }
0x3: {  	_ = 	snop  }
0x4: {  	_ = 	snop  }
0x5: {  	_ = 	snop  }
0x6: {  	_ = 	snop  }
0x7: {  	_ = 	snop  }
__scs_overlays_trampoline_lowered:
0x8: {  	[smem:$0x3FAD] =	sst s0  }
0x9: {  	[smem:$0x3FAE] =	sst s1  }
0xa: {  	[smem:$0x3FAF] =	sst s2  }
0xb: {  	[smem:$0x3FB0] =	sst s3  }
0xc: {  	[smem:$0x3FB1] =	sst s4  }
0xd: {  	[smem:$0x3FB2] =	sst s5  }
0xe: {  	[smem:$0x3FB3] =	sst s6  }
0xf: {  	[smem:$0x3FB4] =	sst s7  }
0x10: {  	[smem:$0x3FB5] =	sst s8  }
0x11: {  	[smem:$0x3FB6] =	sst s9;
	s0 =	simm.s32 @!p0 $0x0  }
0x12: {  	s1 =	sld [smem:$0x3F9C];
	s0 =	simm.s32 @p0 $0x1  }
0x13: {  	[smem:$0x3FB7] =	sst s0;
	s0 =	simm.s32 @!p1 $0x0  }
0x14: {  	s2 =	sld [smem:$0x3F9B];
	s0 =	simm.s32 @p1 $0x1  }
0x15: {  	[smem:$0x3FB8] =	sst s0;
	s0 =	simm.s32 @!p2 $0x0  }
0x16: {  	s3 =	sld [smem:$0x3FDB];
	s0 =	simm.s32 @p2 $0x1  }
0x17: {  	s4 =	simm.s32 $0x1BF5;
	[smem:$0x3FBA] =	sst s0  }
0x18: {  	s0 =	sld [smem:$0x3F9D];
	_ =	swait.ge [sflag:s4], $0x0  }
0x19: {  	s7 =	sld [smem:$0x3F9E]  }
0x1a: {  	s8 =	sadd.s32 $0xFFFFE003, lr  }
0x1b: {  	s9 =	sadd.s32 $0xFFFFFEF7, lr;
	s5 =	simm.s32 $0xFFFFFFFF;
	p2 =	slt.u32 s8, $0xFFFFF086  }
0x1c: {  	p1 =	slt.u32 s9, $0xF7A;
	s5 =	simm.s32 @!p2 $0x0  }
0x1d: {  	s5 =	simm.s32 @p1 $0x1;
	p0 =	seq.s32 s7, s2  }
0x1e: {  	s7 =	smul.u32 @!p0 $0xF7A, s2;
	p2 =	seq.s32 @!p0 s5, $0x0  }
0x1f: {  	s9 =	smul.u32 $0xF7A, s1;
	s8 =	simm.s32 @!p0 $0x1BF5;
	p2 =	por !p2, p0  }
0x20: {  	[sflag:s8] =	ssyncset.s32 @!p0 $0xFFFFF086;
	s6 =	sadd.s32 @!p0 s3, s7;
	s7 =	simm.s32 @!p0 $0x108  }
0x21: {  	s3 =	sadd.s32 s3, s9;
	s6 =	sadd.s32 @!p0 $0x88, s6;
	s7 =	simm.s32 @p2 $0x1082  }
0x22: {  	[simem:s7], [sflag:s8] =	dma.local @!p0 [hbm:s6], $0xF7A  }
0x23: {  	s9 =	sor.u32 $0xD0000000, s2;
	s6 =	simm.s32 $0x108;
	_ =	swait.ge @!p0 [sflag:s8], $0x0  }
0x24: {  	s3 =	sadd.s32 $0x88, s3;
	s6 =	simm.s32 @!p1 $0x1082;
	[sflag:s4] =	ssyncset.s32 $0xFFFFF086  }
0x25: {  	[simem:s6], [sflag:s4] =	dma.local [hbm:s3], $0xF7A  }
0x26: {  	[smem:$0x3F9E] =	sst s1;
	(tag) =	ssettag s2;
	_ =	strace s9  }
0x27: {  	s1 =	sld [smem:$0x3FAE]  }
0x28: {  	s2 =	sld [smem:$0x3FAF]  }
0x29: {  	s4 =	sld [smem:$0x3FB1]  }
0x2a: {  	p0 =	seq.s32 s5, $0x0;
	s5 =	sld [smem:$0x3FB2]  }
0x2b: {  	s6 =	sld [smem:$0x3FB3]  }
0x2c: {  	s7 =	sld [smem:$0x3FB4]  }
0x2d: {  	s3 =	simm.s32 $0x108;
	s8 =	sld [smem:$0x3FB5]  }
0x2e: {  	s3 =	simm.s32 @!p0 $0x1082;
	s9 =	sld [smem:$0x3FB6]  }
0x2f: {  	lr =	sadd.s32 s0, s3;
	s0 =	sld [smem:$0x3FAD]  }
0x30: {  	s3 =	sld [smem:$0x3FB0]  }
0x31: {  	[smem:$0x3FB9] =	sst s10  }
0x32: {  	s10 =	sld [smem:$0x3FB7];
	_ =	sdelay $0x3  }
0x33: {  	p0 =	seq.s32 s10, $0x1;
	s10 =	sld [smem:$0x3FB9];
	_ =	sdelay $0x3  }
0x34: {  	[smem:$0x3FB9] =	sst s10  }
0x35: {  	s10 =	sld [smem:$0x3FB8];
	_ =	sdelay $0x3  }
0x36: {  	p1 =	seq.s32 s10, $0x1;
	s10 =	sld [smem:$0x3FB9];
	_ =	sdelay $0x3  }
0x37: {  	[smem:$0x3FB9] =	sst s10  }
0x38: {  	s10 =	sld [smem:$0x3FBA]  }
0x39: {  	_ = 	snop;
	(pc) =	sbr.ind lr, $3  }
0x3a: {  	_ = 	snop  }
0x3b: {  	_ = 	snop  }
0x3c: {  	p2 =	seq.s32 s10, $0x1;
	s10 =	sld [smem:$0x3FB9]  }
0x3d: {  	_ =	shalt  }
0x3e: {  	_ =	shalt  }
0x3f: {  	_ =	shalt  }
0x40: {  	_ =	shalt  }
0x41: {  	_ =	shalt  }
0x42: {  	_ =	shalt  }
0x43: {  	_ =	shalt  }
0x44: {  	_ =	shalt  }
0x45: {  	_ =	shalt  }
0x46: {  	_ =	shalt  }
0x47: {  	_ =	shalt  }
0x48: {  	_ =	shalt  }
0x49: {  	_ =	shalt  }
0x4a: {  	_ =	shalt  }
0x4b: {  	_ =	shalt  }
0x4c: {  	_ =	shalt  }
0x4d: {  	_ =	shalt  }
0x4e: {  	_ =	shalt  }
0x4f: {  	_ =	shalt  }
0x50: {  	_ =	shalt  }
0x51: {  	_ =	shalt  }
0x52: {  	_ =	shalt  }
0x53: {  	_ =	shalt  }
0x54: {  	_ =	shalt  }
0x55: {  	_ =	shalt  }
0x56: {  	_ =	shalt  }
0x57: {  	_ =	shalt  }
0x58: {  	_ =	shalt  }
0x59: {  	_ =	shalt  }
0x5a: {  	_ =	shalt  }
0x5b: {  	_ =	shalt  }
0x5c: {  	_ =	shalt  }
0x5d: {  	_ =	shalt  }
0x5e: {  	_ =	shalt  }
0x5f: {  	_ =	shalt  }
0x60: {  	_ =	shalt  }
0x61: {  	_ =	shalt  }
0x62: {  	_ =	shalt  }
0x63: {  	_ =	shalt  }
0x64: {  	_ =	shalt  }
0x65: {  	_ =	shalt  }
0x66: {  	_ =	shalt  }
0x67: {  	_ =	shalt  }
0x68: {  	_ =	shalt  }
0x69: {  	_ =	shalt  }
0x6a: {  	_ =	shalt  }
0x6b: {  	_ =	shalt  }
0x6c: {  	_ =	shalt  }
0x6d: {  	_ =	shalt  }
0x6e: {  	_ =	shalt  }
0x6f: {  	_ =	shalt  }
0x70: {  	_ =	shalt  }
0x71: {  	_ =	shalt  }
0x72: {  	_ =	shalt  }
0x73: {  	_ =	shalt  }
0x74: {  	_ =	shalt  }
0x75: {  	_ =	shalt  }
0x76: {  	_ =	shalt  }
0x77: {  	_ =	shalt  }
0x78: {  	_ =	shalt  }
0x79: {  	_ =	shalt  }
0x7a: {  	_ =	shalt  }
0x7b: {  	_ =	shalt  }
0x7c: {  	_ =	shalt  }
0x7d: {  	_ =	shalt  }
0x7e: {  	_ =	shalt  }
0x7f: {  	_ =	shalt  }
0x80: {  	_ =	shalt  }
0x81: {  	_ =	shalt  }
0x82: {  	_ =	shalt  }
0x83: {  	_ =	shalt  }
0x84: {  	_ =	shalt  }
0x85: {  	_ =	shalt  }
0x86: {  	_ =	shalt  }
0x87: {  	_ =	shalt  }
.Lfunc_end0:
.L_simem_size_0:
called_computation_lowered:
.L_overlay_start_0:
0x88: {  	s2 =	sld [smem:$0x3FD9]  }
0x89: {  	s3 =	sld [smem:$0x3FFE];
	_ =	sdelay $0x1  }
0x8a: {  	s1 =	srdreg.scid  }
0x8b: {  	s0 =	sand.u32 $0x1, s1  }
0x8c: {  	s17 =	sshll.u32 s0, $0xA;
	s2 =	sadd.s32 s3, s2  }
0x8d: {  	s2 =	sadd.s32 s2, s17  }
0x8e: {  	[smem:$0x3FC5] =	sst s2  }
0x8f: {  	_ = 	snop  }
0x90: {  	s2 =	sld [smem:$0x3FD0];
	(tm) =	ssettm $0x1  }
0x91: {  	s18 =	sld [smem:$0x3FFB];
	_ =	sdelay $0x3  }
0x92: {  	_ =	strace s18  }
0x93: {  	s3 =	sld [smem:$0x3FFC];
	_ =	sdelay $0x3  }
0x94: {  	_ =	strace s3  }
0x95: {  	s3 =	sld [smem:$0x3FFD];
	_ =	sdelay $0x3  }
0x96: {  	_ =	strace s3  }
0x97: {  	_ =	strace $0x8FFFFFFF  }
0x98: {  	s19 =	sld [smem:$0x3FDB];
	_ =	sdelay $0x1  }
0x99: {  	s4 =	simm.s32 $_scs_section_size  }
0x9a: {  	s5 =	simm.s32 $_size__tile_overlayer_lowered;
	s6 =	simm.s32 $_tile_overlayer_lowered  }
0x9b: {  	s22 =	simm.s32 $0x1BFF;
	s21 =	sshll.u32 s6, $0x1;
	s3 =	sadd.s32 s4, s19  }
0x9c: {  	s7 =	simm.s32 $0x0;
	s20 =	sshll.u32 s5, $0x1;
	s5 =	sadd.s32 s21, s3  }
0x9d: {  	[timem:s7], [sflag:s22] =	dma.local [hbm:s5], s20  }
0x9e: {  	_ =	swait.ge [sflag:s22], s20  }
0x9f: {  	s4 =	ssub.s32 $0x0, s20;
	[sflag:s22] =	ssyncset.done $0x0  }
0xa0: {  	[sflag:s22] =	ssyncadd.s32 s4;
	_ =	sdelay $0x1  }
0xa1: {  	s23 =	simm.s32 $0x1B8B  }
0xa2: {  	_ =	swait.ge [sflag:s23], $0x1  }
0xa3: {  	[sflag:s23] =	ssyncset.done $0x0  }
0xa4: {  	s25 =	simm.s32 $0x1B8E;
	s24 =	sld [smem:$0x3FFE];
	[sflag:s23] =	ssyncadd.s32 $0xFFFFFFFF  }
0xa5: {  	s26 =	simm.s32 $execute0_lowered;
	[smem:$0x3FD2] =	sst s25  }
0xa6: {  	s5 =	sshll.u32 s26, $0x1;
	_ =	strace $0x80000046;
	[dreg:$0x1] =	wrdreg $0xFFFFFFFF  }
0xa7: {  	s28 =	simm.s32 $_size_execute0_lowered;
	s3 =	sadd.s32 s3, s5;
	[dreg:$0x0] =	wrdreg $0x0  }
0xa8: {  	s5 =	sshll.u32 s28, $0x1;
	[dreg:$0x2] =	wrdreg s3  }
0xa9: {  	[dreg:$0x3] =	wrdreg s5  }
0xaa: {  	[dreg:$0x4] =	wrdreg $0xC0  }
0xab: {  	_ =	task [dreg:s7], $0x5FFFF  }
0xac: {  	[dreg:$0x1] =	wrdreg $0xFFFFFFFF  }
0xad: {  	[dreg:$0x0] =	wrdreg $0x60  }
0xae: {  	[dreg:$0x2] =	wrdreg s2  }
0xaf: {  	[dreg:$0x3] =	wrdreg s24  }
0xb0: {  	[dreg:$0x4] =	wrdreg $0x44800  }
0xb1: {  	[dreg:$0x5] =	wrdreg $0x9  }
0xb2: {  	_ =	task.clear_ibuf [dreg:s7], $0x6FFFF;
	_ =	strace $0x90000046  }
0xb3: {  	s29 =	simm.s32 $0x9;
	_ =	strace $0x80000048  }
0xb4: {  	_ =	swait.ge [sflag:s29], $0x1  }
0xb5: {  	[sflag:s29] =	ssyncadd.s32 $0xFFFFFFFF  }
0xb6: {  	_ =	strace $0x90000048  }
0xb7: {  	_ =	sfence  }
0xb8: {  	s30 =	sld [smem:$0x0];
	_ =	sdelay $0x2  }
0xb9: {  	s31 =	sshll.u32 s1, $0xD;
	s1 =	sshrl.u32 s1, $0x2  }
0xba: {  	s3 =	sand.u32 $0x4000, s31;
	s1 =	sadd.s32 s1, s30  }
0xbb: {  	s0 =	sor.u32 s3, s0;
	s1 =	sshll.u32 s1, $0x11  }
0xbc: {  	s0 =	sor.u32 s1, s0  }
0xbd: {  	s0 =	sadd.s32 $0x8F2B, s0  }
0xbe: {  	[sflag:s0] =	ssyncadd.remote.s32 $0x1  }
0xbf: {  	_ =	sfence.sel $0xFFFF  }
0xc0: {  	[dreg:$0x0] =	wrdreg $0xFFFFFFFF;
	(pc) =	sbr.abs _section_cstart, $3  }
0xc1: {  	[dreg:$0x1] =	wrdreg $0xFFFFFFFF  }
0xc2: {  	_ =	task.clear_ibuf [dreg:s7], $0x2FFFF;
	_ =	strace $0x9FFFFFFF  }
0xc3: {  	(tm) =	ssettm $0x7FFFFFFF  }
tec
execute0_lowered:
.L_overlay_start_1:
0x0: {  	(tag) =	ssettag $0x1  }
0x1: {  	s5 =	rddreg [dreg:$0x0]  }
0x2: {  	s9 =	rddreg [dreg:$0x1]  }
0x3: {  	s1 =	rddreg [dreg:$0x2];
	s2 =	srdreg.scid  }
0x4: {  	s0 =	rddreg [dreg:$0x3];
	s3 =	simm.s32 $0x0;
	s14 =	simm.s32 $0x1  }
0x5: {  	s15 =	simm.s32 $0x2;
	s6 =	sand.u32 $0x1, s2;
	s2 =	stileid.u32  }
0x6: {  	s16 =	simm.s32 $0x3E00;
	[smem:$0x7FF] =	sst s3;
	s4 =	smul.u32 $0x2800, s6  }
0x7: {  	s18 =	simm.s32 $0x0;
	s7 =	smul.u32 $0x280, s2;
	_ =	strace $0x80000047  }
0x8: {  	s8 =	sshll.u32 s2, $0x1;
	s10 =	smul.u32 $0xA00, s2;
	s12 =	ssub.s32 $0x2, s6  }
0x9: {  	p0 =	seq.s32 s6, $0x1;
	s31 =	sshll.u32 s2, $0x6;
	s8 =	sor.u32 s6, s8  }
0xa: {  	s13 =	sshrl.u32 s12, $0x1;
	s4 =	sadd.s32 s7, s4;
	s8 =	smul.u32 $0x4400, s8  }
0xb: {  	s12 =	ssub.s32 s12, s13;
	s10 =	sshrl.u32 s10, $0x2;
	s17 =	sadd.s32 s7, s1  }
0xc: {  	s13 =	simm.s32 $0x50;
	s11 =	sshrl.u32 s4, $0x3;
	s4 =	sadd.s32 $0x1C00, s9  }
0xd: {  	s10 =	sadd.s32 s10, s1;
	s7 =	smax.u32 s12, $0x1;
	s12 =	simm.s32 $0x4400  }
0xe: {  	s17 =	sshrl.u32 s17, $0x3;
	s11 =	sadd.s32 s11, s9;
	s8 =	sshrl.u32 s8, $0x3  }
0xf: {  	s10 =	sshrl.u32 s10, $0x3;
	s6 =	sadd.s32 $0x1E00, s11;
	s11 =	simm.s32 $0x1800  }
0x10: {  	s5 =	sadd.s32 s5, s8;
	s8 =	sor.u32 $0x1C03, s31;
	s11 =	simm.s32 @!p0 $0x1A00  }
0x11: {  	s5 =	sadd.s32 $0x11000, s5;
	s9 =	sadd.s32 s11, s9;
	s11 =	simm.s32 $0x3  }
.LBB2_1:
0x12: {  	[spmem:s10], [sflag:s8] =	dma.local [hbm:s9], $0x50  }
0x13: {  	_ =	swait.ge [sflag:s11], $0x50  }
0x14: {  	[sflag:s11] =	ssyncset.done $0x0  }
0x15: {  	[sflag:s11] =	ssyncadd.s32 $0xFFFFFFB0  }
0x16: {  	[tilespmem:s12], [sflag:$0x3] =	stream.linear.gather [hbm4b:s4+s3], $0x80, $0x38;
	[tilespmem:$0x4700] =	vst v63  }
0x17: {  	_ =	swait.ge [sflag:s11], $0x80  }
0x18: {  	[sflag:s11] =	ssyncset.done $0x0  }
0x19: {  	[sflag:s11] =	ssyncadd.s32 $0xFFFFFF80  }
0x1a: {  	[tilespmem:s3], [sflag:$0x3] =	stream.linear.gather [hbm4b:s5+s3], $0x4400, $0x38;
	[tilespmem:$0x4700] =	vst v63  }
0x1b: {  	_ =	swait.ge [sflag:s11], $0x4400  }
0x1c: {  	[sflag:s11] =	ssyncset.done $0x0  }
0x1d: {  	[sflag:s11] =	ssyncadd.s32 $0xFFFFBC00  }
0x1e: {  	s19 =	simm.s32 $0x0;
	[bflag:$0x0] =	sbarrier.arrive $0xFFFF  }
0x1f: {  	[spmem:s1] =	stream.indirect.scatter.add.f32 [tilespmem:s12], [sflag:$0x1], $0x1, s19, s13, $0xb8;
	[tilespmem:$0x4700] =	vst v63  }
0x20: {  	s31 =	simm.s32 $0x80  }
0x21: {  	[spmem:s1] =	stream.indirect.scatter.add.f32 [tilespmem:s12], [sflag:$0x2], $0x1, s31, s13, $0xb8;
	[tilespmem:$0x4700] =	vst v63  }
0x22: {  	_ =	swait.ge [sflag:s14], $0x50  }
0x23: {  	[sflag:s14] =	ssyncset.done $0x0  }
0x24: {  	[sflag:s14] =	ssyncadd.s32 $0xFFFFFFB0  }
0x25: {  	_ =	swait.ge [sflag:s15], $0x50  }
0x26: {  	s20 =	simm.s32 $0x800;
	s19 =	simm.s32 $0x400;
	[sflag:s15] =	ssyncset.done $0x0  }
.LBB2_2:
0x27: {  	s21 =	sshra.s32 s19, $0x2  }
0x28: {  	[sflag:s15] =	ssyncadd.s32 $0xFFFFFFB0;
	s19 =	smov.u32 s20;
	s22 =	sadd.s32 $0x400, s20  }
0x29: {  	[spmem:s1] =	stream.indirect.scatter.add.f32 [tilespmem:s12], [sflag:$0x1], $0x1, s21, s13, $0xb8;
	[tilespmem:$0x4700] =	vst v63  }
0x2a: {  	p0 =	sne.s32 s20, $0xF400;
	s20 =	sadd.s32 $0x80, s21  }
0x2b: {  	[spmem:s1] =	stream.indirect.scatter.add.f32 [tilespmem:s12], [sflag:$0x2], $0x1, s20, s13, $0xb8;
	[tilespmem:$0x4700] =	vst v63  }
.Ltmp0:
0x2c: {  	_ =	swait.ge [sflag:s14], $0x50;
	(pc) =	sbr.rel @p0 .LBB2_2-.Ltmp0, $4  }
0x2d: {  	[sflag:s14] =	ssyncset.done $0x0  }
0x2e: {  	[sflag:s14] =	ssyncadd.s32 $0xFFFFFFB0  }
0x2f: {  	_ =	swait.ge [sflag:s15], $0x50  }
0x30: {  	s20 =	smov.u32 s22;
	[sflag:s15] =	ssyncset.done $0x0  }
0x31: {  	s19 =	sshra.s32 s19, $0x2;
	[sflag:s15] =	ssyncadd.s32 $0xFFFFFFB0  }
0x32: {  	[spmem:s1] =	stream.indirect.scatter.add.f32 [tilespmem:s12], [sflag:$0x1], $0x1, s19, s13, $0xb8;
	[tilespmem:$0x4700] =	vst v63  }
0x33: {  	s19 =	sadd.s32 $0x80, s19  }
0x34: {  	[spmem:s1] =	stream.indirect.scatter.add.f32 [tilespmem:s12], [sflag:$0x2], $0x1, s19, s13, $0xb8;
	[tilespmem:$0x4700] =	vst v63  }
0x35: {  	_ =	swait.ge [sflag:s14], $0x50  }
0x36: {  	[sflag:s14] =	ssyncset.done $0x0  }
0x37: {  	[sflag:s14] =	ssyncadd.s32 $0xFFFFFFB0  }
0x38: {  	_ =	swait.ge [sflag:s15], $0x50  }
0x39: {  	[sflag:s15] =	ssyncset.done $0x0  }
0x3a: {  	[sflag:s15] =	ssyncadd.s32 $0xFFFFFFB0  }
0x3b: {  	[spmem:s1] =	stream.indirect.scatter.add.f32 [tilespmem:s12], [sflag:$0x3], $0x1, s16, s13, $0xb8;
	[tilespmem:$0x4700] =	vst v63  }
0x3c: {  	_ =	swait.ge [sflag:s11], $0x50  }
0x3d: {  	s18 =	sadd.s32 $0x1, s18;
	[sflag:s11] =	ssyncset.done $0x0  }
0x3e: {  	p0 =	sne.s32 s18, s7;
	[sflag:s11] =	ssyncadd.s32 $0xFFFFFFB0  }
.Ltmp1:
0x3f: {  	[bflag:$0x0] =	sbarrier.arrive $0xFFFF;
	(pc) =	sbr.rel @p0 .LBB2_1-.Ltmp1, $4  }
0x40: {  	[hbm:s6], [sflag:s8] =	dma.local [spmem:s17], $0x50  }
0x41: {  	_ =	swait.ge [sflag:s11], $0x50  }
0x42: {  	[sflag:s11] =	ssyncset.done $0x0  }
0x43: {  	[sflag:s11] =	ssyncadd.s32 $0xFFFFFFB0  }
0x44: {  	_ =	sfence.sel $0x180000  }
0x45: {  	[bflag:$0x0] =	sbarrier.arrive $0xFFFF  }
0x46: {  	p0 =	sne.s32 s2, $0x0;
	_ =	strace $0x90000047  }
0x47: {  	s0 =	sadd.s32 @!p0 $0x100000, s0;
	[bflag:$0x2] =	sbarrier.arrive $0xFFFF  }
0x48: {  	[sflag:s0] =	ssyncadd.tile.s32 @!p0 $0x1;
	_ =	shalt  }
.Lfunc_end2:
_tile_overlayer_lowered:
.L_overlay_start_2:
0x49: {  	(tag) =	ssettag $0x2  }
0x4a: {  	s0 =	rddreg [dreg:$0x0];
	s2 =	stileid.u32  }
0x4b: {  	s1 =	rddreg [dreg:$0x1];
	p0 =	sne.s32 s2, $0x0  }
0x4c: {  	s3 =	rddreg [dreg:$0x2];
	[bflag:$0x3] =	sbarrier.arrive $0xFFFF;
	s2 =	simm.s32 @!p0 $0x1C03  }
0x4d: {  	[timem:s3], [sflag:s2] =	dma.local @!p0 [hbm:s0], s1  }
0x4e: {  	s0 =	simm.s32 @!p0 $0x3  }
0x4f: {  	_ =	swait.ge @!p0 [sflag:s0], s1  }
0x50: {  	s1 =	ssub.s32 @!p0 $0x0, s1;
	[sflag:s0] =	ssyncset.done @!p0 $0x0  }
0x51: {  	[sflag:s0] =	ssyncadd.s32 @!p0 s1  }
0x52: {  	[bflag:$0x3] =	sbarrier.arrive $0xFFFF  }
0x53: {  	_ =	shalt  }

// kernel: kernel.9.cloned.1.call-start
scs
__scs_entry_jumppad:
0x0: {  	(pc) =	sbr.rel $0x88, $3  }
0x1: {  	(tag) =	ssettag $0x0;
	lr =	simm.s32 $0x1  }
0x2: {  	[smem:$0x3F9E] =	sst lr;
	_ =	strace $0xD0000000  }
0x3: {  	_ = 	snop  }
0x4: {  	_ = 	snop  }
0x5: {  	_ = 	snop  }
0x6: {  	_ = 	snop  }
0x7: {  	_ = 	snop  }
__scs_overlays_trampoline_lowered:
0x8: {  	[smem:$0x3FAD] =	sst s0  }
0x9: {  	[smem:$0x3FAE] =	sst s1  }
0xa: {  	[smem:$0x3FAF] =	sst s2  }
0xb: {  	[smem:$0x3FB0] =	sst s3  }
0xc: {  	[smem:$0x3FB1] =	sst s4  }
0xd: {  	[smem:$0x3FB2] =	sst s5  }
0xe: {  	[smem:$0x3FB3] =	sst s6  }
0xf: {  	[smem:$0x3FB4] =	sst s7  }
0x10: {  	[smem:$0x3FB5] =	sst s8  }
0x11: {  	[smem:$0x3FB6] =	sst s9;
	s0 =	simm.s32 @!p0 $0x0  }
0x12: {  	s1 =	sld [smem:$0x3F9C];
	s0 =	simm.s32 @p0 $0x1  }
0x13: {  	[smem:$0x3FB7] =	sst s0;
	s0 =	simm.s32 @!p1 $0x0  }
0x14: {  	s2 =	sld [smem:$0x3F9B];
	s0 =	simm.s32 @p1 $0x1  }
0x15: {  	[smem:$0x3FB8] =	sst s0;
	s0 =	simm.s32 @!p2 $0x0  }
0x16: {  	s3 =	sld [smem:$0x3FDB];
	s0 =	simm.s32 @p2 $0x1  }
0x17: {  	s4 =	simm.s32 $0x1BF5;
	[smem:$0x3FBA] =	sst s0  }
0x18: {  	s0 =	sld [smem:$0x3F9D];
	_ =	swait.ge [sflag:s4], $0x0  }
0x19: {  	s7 =	sld [smem:$0x3F9E]  }
0x1a: {  	s8 =	sadd.s32 $0xFFFFE003, lr  }
0x1b: {  	s9 =	sadd.s32 $0xFFFFFEF7, lr;
	s5 =	simm.s32 $0xFFFFFFFF;
	p2 =	slt.u32 s8, $0xFFFFF086  }
0x1c: {  	p1 =	slt.u32 s9, $0xF7A;
	s5 =	simm.s32 @!p2 $0x0  }
0x1d: {  	s5 =	simm.s32 @p1 $0x1;
	p0 =	seq.s32 s7, s2  }
0x1e: {  	s7 =	smul.u32 @!p0 $0xF7A, s2;
	p2 =	seq.s32 @!p0 s5, $0x0  }
0x1f: {  	s9 =	smul.u32 $0xF7A, s1;
	s8 =	simm.s32 @!p0 $0x1BF5;
	p2 =	por !p2, p0  }
0x20: {  	[sflag:s8] =	ssyncset.s32 @!p0 $0xFFFFF086;
	s6 =	sadd.s32 @!p0 s3, s7;
	s7 =	simm.s32 @!p0 $0x108  }
0x21: {  	s3 =	sadd.s32 s3, s9;
	s6 =	sadd.s32 @!p0 $0x88, s6;
	s7 =	simm.s32 @p2 $0x1082  }
0x22: {  	[simem:s7], [sflag:s8] =	dma.local @!p0 [hbm:s6], $0xF7A  }
0x23: {  	s9 =	sor.u32 $0xD0000000, s2;
	s6 =	simm.s32 $0x108;
	_ =	swait.ge @!p0 [sflag:s8], $0x0  }
0x24: {  	s3 =	sadd.s32 $0x88, s3;
	s6 =	simm.s32 @!p1 $0x1082;
	[sflag:s4] =	ssyncset.s32 $0xFFFFF086  }
0x25: {  	[simem:s6], [sflag:s4] =	dma.local [hbm:s3], $0xF7A  }
0x26: {  	[smem:$0x3F9E] =	sst s1;
	(tag) =	ssettag s2;
	_ =	strace s9  }
0x27: {  	s1 =	sld [smem:$0x3FAE]  }
0x28: {  	s2 =	sld [smem:$0x3FAF]  }
0x29: {  	s4 =	sld [smem:$0x3FB1]  }
0x2a: {  	p0 =	seq.s32 s5, $0x0;
	s5 =	sld [smem:$0x3FB2]  }
0x2b: {  	s6 =	sld [smem:$0x3FB3]  }
0x2c: {  	s7 =	sld [smem:$0x3FB4]  }
0x2d: {  	s3 =	simm.s32 $0x108;
	s8 =	sld [smem:$0x3FB5]  }
0x2e: {  	s3 =	simm.s32 @!p0 $0x1082;
	s9 =	sld [smem:$0x3FB6]  }
0x2f: {  	lr =	sadd.s32 s0, s3;
	s0 =	sld [smem:$0x3FAD]  }
0x30: {  	s3 =	sld [smem:$0x3FB0]  }
0x31: {  	[smem:$0x3FB9] =	sst s10  }
0x32: {  	s10 =	sld [smem:$0x3FB7];
	_ =	sdelay $0x3  }
0x33: {  	p0 =	seq.s32 s10, $0x1;
	s10 =	sld [smem:$0x3FB9];
	_ =	sdelay $0x3  }
0x34: {  	[smem:$0x3FB9] =	sst s10  }
0x35: {  	s10 =	sld [smem:$0x3FB8];
	_ =	sdelay $0x3  }
0x36: {  	p1 =	seq.s32 s10, $0x1;
	s10 =	sld [smem:$0x3FB9];
	_ =	sdelay $0x3  }
0x37: {  	[smem:$0x3FB9] =	sst s10  }
0x38: {  	s10 =	sld [smem:$0x3FBA]  }
0x39: {  	_ = 	snop;
	(pc) =	sbr.ind lr, $3  }
0x3a: {  	_ = 	snop  }
0x3b: {  	_ = 	snop  }
0x3c: {  	p2 =	seq.s32 s10, $0x1;
	s10 =	sld [smem:$0x3FB9]  }
0x3d: {  	_ =	shalt  }
0x3e: {  	_ =	shalt  }
0x3f: {  	_ =	shalt  }
0x40: {  	_ =	shalt  }
0x41: {  	_ =	shalt  }
0x42: {  	_ =	shalt  }
0x43: {  	_ =	shalt  }
0x44: {  	_ =	shalt  }
0x45: {  	_ =	shalt  }
0x46: {  	_ =	shalt  }
0x47: {  	_ =	shalt  }
0x48: {  	_ =	shalt  }
0x49: {  	_ =	shalt  }
0x4a: {  	_ =	shalt  }
0x4b: {  	_ =	shalt  }
0x4c: {  	_ =	shalt  }
0x4d: {  	_ =	shalt  }
0x4e: {  	_ =	shalt  }
0x4f: {  	_ =	shalt  }
0x50: {  	_ =	shalt  }
0x51: {  	_ =	shalt  }
0x52: {  	_ =	shalt  }
0x53: {  	_ =	shalt  }
0x54: {  	_ =	shalt  }
0x55: {  	_ =	shalt  }
0x56: {  	_ =	shalt  }
0x57: {  	_ =	shalt  }
0x58: {  	_ =	shalt  }
0x59: {  	_ =	shalt  }
0x5a: {  	_ =	shalt  }
0x5b: {  	_ =	shalt  }
0x5c: {  	_ =	shalt  }
0x5d: {  	_ =	shalt  }
0x5e: {  	_ =	shalt  }
0x5f: {  	_ =	shalt  }
0x60: {  	_ =	shalt  }
0x61: {  	_ =	shalt  }
0x62: {  	_ =	shalt  }
0x63: {  	_ =	shalt  }
0x64: {  	_ =	shalt  }
0x65: {  	_ =	shalt  }
0x66: {  	_ =	shalt  }
0x67: {  	_ =	shalt  }
0x68: {  	_ =	shalt  }
0x69: {  	_ =	shalt  }
0x6a: {  	_ =	shalt  }
0x6b: {  	_ =	shalt  }
0x6c: {  	_ =	shalt  }
0x6d: {  	_ =	shalt  }
0x6e: {  	_ =	shalt  }
0x6f: {  	_ =	shalt  }
0x70: {  	_ =	shalt  }
0x71: {  	_ =	shalt  }
0x72: {  	_ =	shalt  }
0x73: {  	_ =	shalt  }
0x74: {  	_ =	shalt  }
0x75: {  	_ =	shalt  }
0x76: {  	_ =	shalt  }
0x77: {  	_ =	shalt  }
0x78: {  	_ =	shalt  }
0x79: {  	_ =	shalt  }
0x7a: {  	_ =	shalt  }
0x7b: {  	_ =	shalt  }
0x7c: {  	_ =	shalt  }
0x7d: {  	_ =	shalt  }
0x7e: {  	_ =	shalt  }
0x7f: {  	_ =	shalt  }
0x80: {  	_ =	shalt  }
0x81: {  	_ =	shalt  }
0x82: {  	_ =	shalt  }
0x83: {  	_ =	shalt  }
0x84: {  	_ =	shalt  }
0x85: {  	_ =	shalt  }
0x86: {  	_ =	shalt  }
0x87: {  	_ =	shalt  }
.Lfunc_end0:
.L_simem_size_0:
called_computation.1_lowered:
.L_overlay_start_0:
0x88: {  	s2 =	sld [smem:$0x3FD9]  }
0x89: {  	s3 =	sld [smem:$0x3FFE];
	_ =	sdelay $0x1  }
0x8a: {  	s1 =	srdreg.scid  }
0x8b: {  	s0 =	sand.u32 $0x1, s1  }
0x8c: {  	s17 =	sshll.u32 s0, $0xA;
	s2 =	sadd.s32 s3, s2  }
0x8d: {  	s2 =	sadd.s32 s2, s17  }
0x8e: {  	[smem:$0x3FC5] =	sst s2  }
0x8f: {  	_ = 	snop  }
0x90: {  	s2 =	sld [smem:$0x3FD0];
	(tm) =	ssettm $0x1  }
0x91: {  	s18 =	sld [smem:$0x3FFB];
	_ =	sdelay $0x3  }
0x92: {  	_ =	strace s18  }
0x93: {  	s3 =	sld [smem:$0x3FFC];
	_ =	sdelay $0x3  }
0x94: {  	_ =	strace s3  }
0x95: {  	s3 =	sld [smem:$0x3FFD];
	_ =	sdelay $0x3  }
0x96: {  	_ =	strace s3  }
0x97: {  	_ =	strace $0x8FFFFFFF  }
0x98: {  	s19 =	sld [smem:$0x3FDB];
	_ =	sdelay $0x1  }
0x99: {  	s4 =	simm.s32 $_scs_section_size  }
0x9a: {  	s5 =	simm.s32 $_size__tile_overlayer_lowered;
	s6 =	simm.s32 $_tile_overlayer_lowered  }
0x9b: {  	s22 =	simm.s32 $0x1BFF;
	s21 =	sshll.u32 s6, $0x1;
	s3 =	sadd.s32 s4, s19  }
0x9c: {  	s7 =	simm.s32 $0x0;
	s20 =	sshll.u32 s5, $0x1;
	s5 =	sadd.s32 s21, s3  }
0x9d: {  	[timem:s7], [sflag:s22] =	dma.local [hbm:s5], s20  }
0x9e: {  	_ =	swait.ge [sflag:s22], s20  }
0x9f: {  	s4 =	ssub.s32 $0x0, s20;
	[sflag:s22] =	ssyncset.done $0x0  }
0xa0: {  	[sflag:s22] =	ssyncadd.s32 s4;
	_ =	sdelay $0x1  }
0xa1: {  	s23 =	simm.s32 $0x1B8B  }
0xa2: {  	_ =	swait.ge [sflag:s23], $0x1  }
0xa3: {  	[sflag:s23] =	ssyncset.done $0x0  }
0xa4: {  	s25 =	simm.s32 $0x1B8E;
	s24 =	sld [smem:$0x3FFE];
	[sflag:s23] =	ssyncadd.s32 $0xFFFFFFFF  }
0xa5: {  	s26 =	simm.s32 $execute0_lowered;
	[smem:$0x3FD2] =	sst s25  }
0xa6: {  	s5 =	sshll.u32 s26, $0x1;
	_ =	strace $0x80000049;
	[dreg:$0x1] =	wrdreg $0xFFFFFFFF  }
0xa7: {  	s28 =	simm.s32 $_size_execute0_lowered;
	s3 =	sadd.s32 s3, s5;
	[dreg:$0x0] =	wrdreg $0x0  }
0xa8: {  	s5 =	sshll.u32 s28, $0x1;
	[dreg:$0x2] =	wrdreg s3  }
0xa9: {  	[dreg:$0x3] =	wrdreg s5  }
0xaa: {  	[dreg:$0x4] =	wrdreg $0xC0  }
0xab: {  	_ =	task [dreg:s7], $0x5FFFF  }
0xac: {  	[dreg:$0x1] =	wrdreg $0xFFFFFFFF  }
0xad: {  	[dreg:$0x0] =	wrdreg $0x60  }
0xae: {  	[dreg:$0x2] =	wrdreg s24  }
0xaf: {  	[dreg:$0x3] =	wrdreg s2  }
0xb0: {  	[dreg:$0x4] =	wrdreg $0xBC000  }
0xb1: {  	[dreg:$0x5] =	wrdreg $0x9  }
0xb2: {  	_ =	task.clear_ibuf [dreg:s7], $0x6FFFF;
	_ =	strace $0x90000049  }
0xb3: {  	s29 =	simm.s32 $0x9;
	_ =	strace $0x8000004B  }
0xb4: {  	_ =	swait.ge [sflag:s29], $0x1  }
0xb5: {  	[sflag:s29] =	ssyncadd.s32 $0xFFFFFFFF  }
0xb6: {  	_ =	strace $0x9000004B  }
0xb7: {  	_ =	sfence  }
0xb8: {  	s30 =	sld [smem:$0x0];
	_ =	sdelay $0x2  }
0xb9: {  	s31 =	sshll.u32 s1, $0xD;
	s1 =	sshrl.u32 s1, $0x2  }
0xba: {  	s3 =	sand.u32 $0x4000, s31;
	s1 =	sadd.s32 s1, s30  }
0xbb: {  	s0 =	sor.u32 s3, s0;
	s1 =	sshll.u32 s1, $0x11  }
0xbc: {  	s0 =	sor.u32 s1, s0  }
0xbd: {  	s0 =	sadd.s32 $0x8F2B, s0  }
0xbe: {  	[sflag:s0] =	ssyncadd.remote.s32 $0x1  }
0xbf: {  	_ =	sfence.sel $0xFFFF  }
0xc0: {  	[dreg:$0x0] =	wrdreg $0xFFFFFFFF;
	(pc) =	sbr.abs _section_cstart, $3  }
0xc1: {  	[dreg:$0x1] =	wrdreg $0xFFFFFFFF  }
0xc2: {  	_ =	task.clear_ibuf [dreg:s7], $0x2FFFF;
	_ =	strace $0x9FFFFFFF  }
0xc3: {  	(tm) =	ssettm $0x7FFFFFFF  }
tec
execute0_lowered:
.L_overlay_start_1:
0x0: {  	(tag) =	ssettag $0x1  }
0x1: {  	s0 =	rddreg [dreg:$0x0]  }
0x2: {  	s1 =	rddreg [dreg:$0x1]  }
0x3: {  	s2 =	rddreg [dreg:$0x2];
	s3 =	simm.s32 $0x0;
	s4 =	srdreg.scid  }
0x4: {  	s14 =	stileid.u32;
	s15 =	simm.s32 $0x2400;
	s16 =	simm.s32 $0x50  }
0x5: {  	s17 =	simm.s32 $0x4400;
	s19 =	simm.s32 $0x6C00;
	s21 =	simm.s32 $0x9400  }
0x6: {  	s22 =	simm.s32 $0x1;
	s23 =	simm.s32 $0x2;
	s28 =	simm.s32 $0x180  }
0x7: {  	s29 =	simm.s32 $0x2480;
	s30 =	simm.s32 $0x200;
	s31 =	simm.s32 $0x2500  }
0x8: {  	s18 =	simm.s32 $0x0;
	[smem:$0x7FF] =	sst s3;
	s5 =	sand.u32 $0x1, s4  }
0x9: {  	s6 =	smul.u32 $0x2800, s14;
	s8 =	sshll.u32 s14, $0x1;
	s4 =	sadd.s32 $0x1800, s0  }
0xa: {  	s9 =	smul.u32 $0x50000, s14;
	s12 =	sadd.s32 $0x29800, s0;
	s26 =	sshll.u32 s14, $0x6  }
0xb: {  	s14 =	simm.s32 $0x4;
	_ =	strace $0x8000004A;
	s7 =	smul.u32 $0x28000, s5  }
0xc: {  	s8 =	sor.u32 s5, s8;
	s10 =	ssub.s32 $0x2, s5;
	p0 =	seq.s32 s5, $0x1  }
0xd: {  	s8 =	smul.u32 $0x4400, s8;
	s24 =	sshrl.u32 s10, $0x1;
	s25 =	sshrl.u32 s9, $0x2  }
0xe: {  	s7 =	sadd.s32 s6, s7;
	s11 =	ssub.s32 s10, s24;
	s13 =	sadd.s32 s25, s2  }
0xf: {  	s6 =	sadd.s32 s4, s6;
	s24 =	simm.s32 $0x3;
	s0 =	sadd.s32 s7, s0  }
0x10: {  	s8 =	sshrl.u32 s8, $0x3;
	s11 =	smax.u32 s11, $0x1;
	s6 =	smov.u32 @p0 s12  }
0x11: {  	s12 =	sor.u32 $0x1C04, s26;
	s13 =	sshrl.u32 s13, $0x3;
	s5 =	sadd.s32 s1, s8  }
0x12: {  	s10 =	sadd.s32 $0x2C000, s0;
	s0 =	simm.s32 $0x280;
	s1 =	simm.s32 $0x4200  }
0x13: {  	s7 =	sadd.s32 $0x11000, s5;
	s8 =	sadd.s32 $0x11400, s5;
	s9 =	sadd.s32 $0x400, s5  }
.LBB2_1:
0x14: {  	[spmem:s13], [sflag:s12] =	dma.local [hbm:s6], $0x2800  }
0x15: {  	_ =	swait.ge [sflag:s14], $0x2800  }
0x16: {  	[sflag:s14] =	ssyncset.done $0x0  }
0x17: {  	[sflag:s14] =	ssyncadd.s32 $0xFFFFD800  }
0x18: {  	[tilespmem:s3], [sflag:$0x4] =	stream.linear.gather [hbm4b:s5+s3], $0x2400, $0x38;
	[tilespmem:$0x1FC00] =	vst v63  }
0x19: {  	_ =	swait.ge [sflag:s14], $0x2400  }
0x1a: {  	[sflag:s14] =	ssyncset.done $0x0  }
0x1b: {  	[sflag:s14] =	ssyncadd.s32 $0xFFFFDC00  }
0x1c: {  	[tilespmem:s15], [sflag:$0x4] =	stream.linear.gather [hbm4b:s7+s3], $0x2000, $0x38;
	[tilespmem:$0x1FC00] =	vst v63  }
0x1d: {  	_ =	swait.ge [sflag:s14], $0x2000  }
0x1e: {  	[sflag:s14] =	ssyncset.done $0x0  }
0x1f: {  	[sflag:s14] =	ssyncadd.s32 $0xFFFFE000  }
0x20: {  	[bflag:$0x0] =	sbarrier.arrive $0xFFFF  }
0x21: {  	[tilespmem:s17], [sflag:$0x1] =	stream.indirect.gather [hbm4b:s4+s16], $0x80, s3, s16, $0xb8;
	[tilespmem:$0x1FC00] =	vst v63  }
0x22: {  	s20 =	simm.s32 $0x80  }
0x23: {  	[tilespmem:s19], [sflag:$0x2] =	stream.indirect.gather [hbm4b:s4+s16], $0x80, s20, s16, $0xb8;
	[tilespmem:$0x1FC00] =	vst v63  }
0x24: {  	s25 =	simm.s32 $0x100  }
0x25: {  	[tilespmem:s21], [sflag:$0x3] =	stream.indirect.gather [hbm4b:s4+s16], $0x80, s25, s16, $0xb8;
	[tilespmem:$0x1FC00] =	vst v63  }
0x26: {  	_ =	swait.ge [sflag:s22], $0x2800  }
0x27: {  	[sflag:s22] =	ssyncset.done $0x0  }
0x28: {  	s26 =	simm.s32 $0x2400;
	[sflag:s22] =	ssyncadd.s32 $0xFFFFD800  }
0x29: {  	[spmem:s2] =	stream.indirect.scatter.add.f32 [tilespmem:s17], [sflag:$0x4], $0x80, s26, s16, $0xb8;
	[tilespmem:$0x1FC00] =	vst v63  }
0x2a: {  	_ =	swait.ge [sflag:s14], $0x2800  }
0x2b: {  	[sflag:s14] =	ssyncset.done $0x0  }
0x2c: {  	s25 =	simm.s32 $0x180;
	[sflag:s14] =	ssyncadd.s32 $0xFFFFD800  }
0x2d: {  	[tilespmem:s17], [sflag:$0x1] =	stream.indirect.gather [hbm4b:s4+s16], $0x80, s25, s16, $0xb8;
	[tilespmem:$0x1FC00] =	vst v63  }
0x2e: {  	_ =	swait.ge [sflag:s23], $0x2800  }
0x2f: {  	[sflag:s23] =	ssyncset.done $0x0  }
0x30: {  	s26 =	simm.s32 $0x2480;
	[sflag:s23] =	ssyncadd.s32 $0xFFFFD800  }
0x31: {  	[spmem:s2] =	stream.indirect.scatter.add.f32 [tilespmem:s19], [sflag:$0x4], $0x80, s26, s16, $0xb8;
	[tilespmem:$0x1FC00] =	vst v63  }
0x32: {  	_ =	swait.ge [sflag:s14], $0x2800  }
0x33: {  	[sflag:s14] =	ssyncset.done $0x0  }
0x34: {  	s25 =	simm.s32 $0x200;
	[sflag:s14] =	ssyncadd.s32 $0xFFFFD800  }
0x35: {  	[tilespmem:s19], [sflag:$0x2] =	stream.indirect.gather [hbm4b:s4+s16], $0x80, s25, s16, $0xb8;
	[tilespmem:$0x1FC00] =	vst v63  }
0x36: {  	_ =	swait.ge [sflag:s24], $0x2800  }
0x37: {  	[sflag:s24] =	ssyncset.done $0x0  }
0x38: {  	s26 =	simm.s32 $0x2500;
	[sflag:s24] =	ssyncadd.s32 $0xFFFFD800  }
0x39: {  	[spmem:s2] =	stream.indirect.scatter.add.f32 [tilespmem:s21], [sflag:$0x4], $0x80, s26, s16, $0xb8;
	[tilespmem:$0x1FC00] =	vst v63  }
0x3a: {  	_ =	swait.ge [sflag:s14], $0x2800  }
0x3b: {  	[sflag:s14] =	ssyncset.done $0x0  }
0x3c: {  	s20 =	simm.s32 $0x600;
	s25 =	simm.s32 $0x280;
	[sflag:s14] =	ssyncadd.s32 $0xFFFFD800  }
.LBB2_2:
0x3d: {  	[tilespmem:s21], [sflag:$0x3] =	stream.indirect.gather [hbm4b:s4+s16], $0x80, s25, s16, $0xb8;
	[tilespmem:$0x1FC00] =	vst v63  }
0x3e: {  	s25 =	smov.u32 s20  }
0x3f: {  	p0 =	sne.s32 s20, $0x7800;
	s20 =	sadd.s32 $0x600, s20;
	_ =	swait.ge [sflag:s22], $0x2800  }
0x40: {  	s25 =	sshra.s32 s25, $0x2;
	[sflag:s22] =	ssyncset.done $0x0  }
0x41: {  	s26 =	sadd.s32 $0x2400, s25;
	[sflag:s22] =	ssyncadd.s32 $0xFFFFD800  }
0x42: {  	[spmem:s2] =	stream.indirect.scatter.add.f32 [tilespmem:s17], [sflag:$0x4], $0x80, s26, s16, $0xb8;
	[tilespmem:$0x1FC00] =	vst v63  }
0x43: {  	_ =	swait.ge [sflag:s14], $0x2800  }
0x44: {  	[sflag:s14] =	ssyncset.done $0x0  }
0x45: {  	s26 =	sadd.s32 $0x180, s25;
	[sflag:s14] =	ssyncadd.s32 $0xFFFFD800  }
0x46: {  	[tilespmem:s17], [sflag:$0x1] =	stream.indirect.gather [hbm4b:s4+s16], $0x80, s26, s16, $0xb8;
	[tilespmem:$0x1FC00] =	vst v63  }
0x47: {  	_ =	swait.ge [sflag:s23], $0x2800  }
0x48: {  	[sflag:s23] =	ssyncset.done $0x0  }
0x49: {  	s26 =	sadd.s32 $0x2480, s25;
	[sflag:s23] =	ssyncadd.s32 $0xFFFFD800  }
0x4a: {  	[spmem:s2] =	stream.indirect.scatter.add.f32 [tilespmem:s19], [sflag:$0x4], $0x80, s26, s16, $0xb8;
	[tilespmem:$0x1FC00] =	vst v63  }
0x4b: {  	_ =	swait.ge [sflag:s14], $0x2800  }
0x4c: {  	[sflag:s14] =	ssyncset.done $0x0  }
0x4d: {  	s26 =	sadd.s32 $0x200, s25;
	[sflag:s14] =	ssyncadd.s32 $0xFFFFD800  }
0x4e: {  	[tilespmem:s19], [sflag:$0x2] =	stream.indirect.gather [hbm4b:s4+s16], $0x80, s26, s16, $0xb8;
	[tilespmem:$0x1FC00] =	vst v63  }
0x4f: {  	_ =	swait.ge [sflag:s24], $0x2800  }
0x50: {  	[sflag:s24] =	ssyncset.done $0x0  }
.Ltmp0:
0x51: {  	s26 =	sadd.s32 $0x2500, s25;
	[sflag:s24] =	ssyncadd.s32 $0xFFFFD800;
	(pc) =	sbr.rel @p0 .LBB2_2-.Ltmp0, $4  }
0x52: {  	[spmem:s2] =	stream.indirect.scatter.add.f32 [tilespmem:s21], [sflag:$0x4], $0x80, s26, s16, $0xb8;
	[tilespmem:$0x1FC00] =	vst v63  }
0x53: {  	_ =	swait.ge [sflag:s14], $0x2800  }
0x54: {  	[sflag:s14] =	ssyncset.done $0x0  }
0x55: {  	s25 =	sadd.s32 $0x280, s25;
	[sflag:s14] =	ssyncadd.s32 $0xFFFFD800  }
0x56: {  	[tilespmem:s21], [sflag:$0x3] =	stream.indirect.gather [hbm4b:s4+s16], $0x80, s25, s16, $0xb8;
	[tilespmem:$0x1FC00] =	vst v63  }
0x57: {  	_ =	swait.ge [sflag:s22], $0x2800  }
0x58: {  	[sflag:s22] =	ssyncset.done $0x0  }
0x59: {  	s20 =	simm.s32 $0x4380;
	[sflag:s22] =	ssyncadd.s32 $0xFFFFD800  }
0x5a: {  	[spmem:s2] =	stream.indirect.scatter.add.f32 [tilespmem:s17], [sflag:$0x4], $0x80, s20, s16, $0xb8;
	[tilespmem:$0x1FC00] =	vst v63  }
0x5b: {  	_ =	swait.ge [sflag:s14], $0x2800  }
0x5c: {  	[sflag:s14] =	ssyncset.done $0x0  }
0x5d: {  	s26 =	simm.s32 $0x2100;
	[sflag:s14] =	ssyncadd.s32 $0xFFFFD800  }
0x5e: {  	[tilespmem:s17], [sflag:$0x1] =	stream.indirect.gather [hbm4b:s4+s16], $0x80, s26, s16, $0xb8;
	[tilespmem:$0x1FC00] =	vst v63  }
0x5f: {  	_ =	swait.ge [sflag:s23], $0x2800  }
0x60: {  	[sflag:s23] =	ssyncset.done $0x0  }
0x61: {  	[sflag:s23] =	ssyncadd.s32 $0xFFFFD800  }
0x62: {  	_ =	swait.ge [sflag:s24], $0x2800  }
0x63: {  	[sflag:s24] =	ssyncset.done $0x0  }
0x64: {  	[sflag:s24] =	ssyncadd.s32 $0xFFFFD800  }
0x65: {  	_ =	swait.ge [sflag:s22], $0x2800  }
0x66: {  	[sflag:s22] =	ssyncset.done $0x0  }
0x67: {  	s25 =	simm.s32 $0x0;
	[sflag:s22] =	ssyncadd.s32 $0xFFFFD800  }
0x68: {  	[tilespmem:s15], [sflag:$0x4] =	stream.linear.gather [hbm4b:s8+s25], $0x2000, $0x38;
	[tilespmem:$0x1FC00] =	vst v63  }
0x69: {  	_ =	swait.ge [sflag:s14], $0x2000  }
0x6a: {  	[sflag:s14] =	ssyncset.done $0x0  }
0x6b: {  	[sflag:s14] =	ssyncadd.s32 $0xFFFFE000  }
0x6c: {  	[tilespmem:s25], [sflag:$0x4] =	stream.linear.gather [hbm4b:s9+s25], $0x2400, $0x38;
	[tilespmem:$0x1FC00] =	vst v63  }
0x6d: {  	_ =	swait.ge [sflag:s14], $0x2400  }
0x6e: {  	[sflag:s14] =	ssyncset.done $0x0  }
0x6f: {  	[sflag:s14] =	ssyncadd.s32 $0xFFFFDC00  }
0x70: {  	[spmem:s2] =	stream.indirect.scatter.add.f32 [tilespmem:s19], [sflag:$0x4], $0x80, s15, s16, $0xb8;
	[tilespmem:$0x1FC00] =	vst v63  }
0x71: {  	_ =	swait.ge [sflag:s14], $0x2800  }
0x72: {  	[sflag:s14] =	ssyncset.done $0x0  }
0x73: {  	[sflag:s14] =	ssyncadd.s32 $0xFFFFD800  }
0x74: {  	[tilespmem:s19], [sflag:$0x2] =	stream.indirect.gather [hbm4b:s4+s16], $0x80, s28, s16, $0xb8;
	[tilespmem:$0x1FC00] =	vst v63  }
0x75: {  	_ = 	snop  }
0x76: {  	[spmem:s2] =	stream.indirect.scatter.add.f32 [tilespmem:s21], [sflag:$0x4], $0x80, s29, s16, $0xb8;
	[tilespmem:$0x1FC00] =	vst v63  }
0x77: {  	_ =	swait.ge [sflag:s14], $0x2800  }
0x78: {  	[sflag:s14] =	ssyncset.done $0x0  }
0x79: {  	[sflag:s14] =	ssyncadd.s32 $0xFFFFD800  }
0x7a: {  	[tilespmem:s21], [sflag:$0x3] =	stream.indirect.gather [hbm4b:s4+s16], $0x80, s30, s16, $0xb8;
	[tilespmem:$0x1FC00] =	vst v63  }
0x7b: {  	_ = 	snop  }
0x7c: {  	[spmem:s2] =	stream.indirect.scatter.add.f32 [tilespmem:s17], [sflag:$0x4], $0x80, s31, s16, $0xb8;
	[tilespmem:$0x1FC00] =	vst v63  }
0x7d: {  	_ =	swait.ge [sflag:s14], $0x2800  }
0x7e: {  	[sflag:s14] =	ssyncset.done $0x0  }
0x7f: {  	[sflag:s14] =	ssyncadd.s32 $0xFFFFD800  }
0x80: {  	[tilespmem:s17], [sflag:$0x1] =	stream.indirect.gather [hbm4b:s4+s16], $0x80, s0, s16, $0xb8;
	[tilespmem:$0x1FC00] =	vst v63  }
0x81: {  	_ =	swait.ge [sflag:s23], $0x2800  }
0x82: {  	[sflag:s23] =	ssyncset.done $0x0  }
0x83: {  	s26 =	simm.s32 $0x2580;
	[sflag:s23] =	ssyncadd.s32 $0xFFFFD800  }
0x84: {  	[spmem:s2] =	stream.indirect.scatter.add.f32 [tilespmem:s19], [sflag:$0x4], $0x80, s26, s16, $0xb8;
	[tilespmem:$0x1FC00] =	vst v63  }
0x85: {  	_ =	swait.ge [sflag:s14], $0x2800  }
0x86: {  	[sflag:s14] =	ssyncset.done $0x0  }
0x87: {  	s25 =	simm.s32 $0x300;
	[sflag:s14] =	ssyncadd.s32 $0xFFFFD800  }
0x88: {  	[tilespmem:s19], [sflag:$0x2] =	stream.indirect.gather [hbm4b:s4+s16], $0x80, s25, s16, $0xb8;
	[tilespmem:$0x1FC00] =	vst v63  }
0x89: {  	_ =	swait.ge [sflag:s24], $0x2800  }
0x8a: {  	[sflag:s24] =	ssyncset.done $0x0  }
0x8b: {  	s26 =	simm.s32 $0x2600;
	[sflag:s24] =	ssyncadd.s32 $0xFFFFD800  }
0x8c: {  	[spmem:s2] =	stream.indirect.scatter.add.f32 [tilespmem:s21], [sflag:$0x4], $0x80, s26, s16, $0xb8;
	[tilespmem:$0x1FC00] =	vst v63  }
0x8d: {  	_ =	swait.ge [sflag:s14], $0x2800  }
0x8e: {  	[sflag:s14] =	ssyncset.done $0x0  }
0x8f: {  	s25 =	simm.s32 $0x380;
	[sflag:s14] =	ssyncadd.s32 $0xFFFFD800  }
0x90: {  	[tilespmem:s21], [sflag:$0x3] =	stream.indirect.gather [hbm4b:s4+s16], $0x80, s25, s16, $0xb8;
	[tilespmem:$0x1FC00] =	vst v63  }
0x91: {  	_ =	swait.ge [sflag:s22], $0x2800  }
0x92: {  	[sflag:s22] =	ssyncset.done $0x0  }
0x93: {  	s26 =	simm.s32 $0x2680;
	[sflag:s22] =	ssyncadd.s32 $0xFFFFD800  }
0x94: {  	[spmem:s2] =	stream.indirect.scatter.add.f32 [tilespmem:s17], [sflag:$0x4], $0x80, s26, s16, $0xb8;
	[tilespmem:$0x1FC00] =	vst v63  }
0x95: {  	_ =	swait.ge [sflag:s14], $0x2800  }
0x96: {  	[sflag:s14] =	ssyncset.done $0x0  }
0x97: {  	s20 =	simm.s32 $0x600;
	s25 =	simm.s32 $0x400;
	[sflag:s14] =	ssyncadd.s32 $0xFFFFD800  }
.LBB2_4:
0x98: {  	[tilespmem:s17], [sflag:$0x1] =	stream.indirect.gather [hbm4b:s4+s16], $0x80, s25, s16, $0xb8;
	[tilespmem:$0x1FC00] =	vst v63  }
0x99: {  	s25 =	smov.u32 s20;
	s20 =	sadd.s32 $0x600, s20;
	_ =	swait.ge [sflag:s23], $0x2800  }
0x9a: {  	s25 =	sshra.s32 s25, $0x2;
	p0 =	sne.s32 s20, $0x6C00;
	[sflag:s23] =	ssyncset.done $0x0  }
0x9b: {  	s26 =	sadd.s32 $0x2580, s25;
	[sflag:s23] =	ssyncadd.s32 $0xFFFFD800  }
0x9c: {  	[spmem:s2] =	stream.indirect.scatter.add.f32 [tilespmem:s19], [sflag:$0x4], $0x80, s26, s16, $0xb8;
	[tilespmem:$0x1FC00] =	vst v63  }
0x9d: {  	_ =	swait.ge [sflag:s14], $0x2800  }
0x9e: {  	[sflag:s14] =	ssyncset.done $0x0  }
0x9f: {  	s26 =	sadd.s32 $0x300, s25;
	[sflag:s14] =	ssyncadd.s32 $0xFFFFD800  }
0xa0: {  	[tilespmem:s19], [sflag:$0x2] =	stream.indirect.gather [hbm4b:s4+s16], $0x80, s26, s16, $0xb8;
	[tilespmem:$0x1FC00] =	vst v63  }
0xa1: {  	_ =	swait.ge [sflag:s24], $0x2800  }
0xa2: {  	[sflag:s24] =	ssyncset.done $0x0  }
0xa3: {  	s26 =	sadd.s32 $0x2600, s25;
	[sflag:s24] =	ssyncadd.s32 $0xFFFFD800  }
0xa4: {  	[spmem:s2] =	stream.indirect.scatter.add.f32 [tilespmem:s21], [sflag:$0x4], $0x80, s26, s16, $0xb8;
	[tilespmem:$0x1FC00] =	vst v63  }
0xa5: {  	_ =	swait.ge [sflag:s14], $0x2800  }
0xa6: {  	[sflag:s14] =	ssyncset.done $0x0  }
0xa7: {  	s26 =	sadd.s32 $0x380, s25;
	[sflag:s14] =	ssyncadd.s32 $0xFFFFD800  }
0xa8: {  	[tilespmem:s21], [sflag:$0x3] =	stream.indirect.gather [hbm4b:s4+s16], $0x80, s26, s16, $0xb8;
	[tilespmem:$0x1FC00] =	vst v63  }
0xa9: {  	_ =	swait.ge [sflag:s22], $0x2800  }
0xaa: {  	[sflag:s22] =	ssyncset.done $0x0  }
.Ltmp1:
0xab: {  	s26 =	sadd.s32 $0x2680, s25;
	[sflag:s22] =	ssyncadd.s32 $0xFFFFD800;
	(pc) =	sbr.rel @p0 .LBB2_4-.Ltmp1, $4  }
0xac: {  	[spmem:s2] =	stream.indirect.scatter.add.f32 [tilespmem:s17], [sflag:$0x4], $0x80, s26, s16, $0xb8;
	[tilespmem:$0x1FC00] =	vst v63  }
0xad: {  	_ =	swait.ge [sflag:s14], $0x2800  }
0xae: {  	[sflag:s14] =	ssyncset.done $0x0  }
0xaf: {  	s25 =	sadd.s32 $0x400, s25;
	[sflag:s14] =	ssyncadd.s32 $0xFFFFD800  }
0xb0: {  	[tilespmem:s17], [sflag:$0x1] =	stream.indirect.gather [hbm4b:s4+s16], $0x80, s25, s16, $0xb8;
	[tilespmem:$0x1FC00] =	vst v63  }
0xb1: {  	_ =	swait.ge [sflag:s23], $0x2800  }
0xb2: {  	s20 =	sshra.s32 s20, $0x2;
	[sflag:s23] =	ssyncset.done $0x0  }
0xb3: {  	s26 =	sadd.s32 $0x2580, s20;
	[sflag:s23] =	ssyncadd.s32 $0xFFFFD800  }
0xb4: {  	[spmem:s2] =	stream.indirect.scatter.add.f32 [tilespmem:s19], [sflag:$0x4], $0x80, s26, s16, $0xb8;
	[tilespmem:$0x1FC00] =	vst v63  }
0xb5: {  	_ =	swait.ge [sflag:s14], $0x2800  }
0xb6: {  	[sflag:s14] =	ssyncset.done $0x0  }
0xb7: {  	s26 =	sadd.s32 $0x300, s20;
	[sflag:s14] =	ssyncadd.s32 $0xFFFFD800  }
0xb8: {  	[tilespmem:s19], [sflag:$0x2] =	stream.indirect.gather [hbm4b:s4+s16], $0x80, s26, s16, $0xb8;
	[tilespmem:$0x1FC00] =	vst v63  }
0xb9: {  	_ =	swait.ge [sflag:s24], $0x2800  }
0xba: {  	[sflag:s24] =	ssyncset.done $0x0  }
0xbb: {  	s26 =	sadd.s32 $0x2600, s20;
	[sflag:s24] =	ssyncadd.s32 $0xFFFFD800  }
0xbc: {  	[spmem:s2] =	stream.indirect.scatter.add.f32 [tilespmem:s21], [sflag:$0x4], $0x80, s26, s16, $0xb8;
	[tilespmem:$0x1FC00] =	vst v63  }
0xbd: {  	_ =	swait.ge [sflag:s14], $0x2800  }
0xbe: {  	[sflag:s14] =	ssyncset.done $0x0  }
0xbf: {  	[sflag:s14] =	ssyncadd.s32 $0xFFFFD800  }
0xc0: {  	_ =	swait.ge [sflag:s22], $0x2800  }
0xc1: {  	[sflag:s22] =	ssyncset.done $0x0  }
0xc2: {  	s20 =	sadd.s32 $0x2680, s20;
	[sflag:s22] =	ssyncadd.s32 $0xFFFFD800  }
0xc3: {  	[spmem:s2] =	stream.indirect.scatter.add.f32 [tilespmem:s17], [sflag:$0x4], $0x80, s20, s16, $0xb8;
	[tilespmem:$0x1FC00] =	vst v63  }
0xc4: {  	_ =	swait.ge [sflag:s14], $0x2800  }
0xc5: {  	[sflag:s14] =	ssyncset.done $0x0  }
0xc6: {  	[sflag:s14] =	ssyncadd.s32 $0xFFFFD800  }
0xc7: {  	_ =	swait.ge [sflag:s23], $0x2800  }
0xc8: {  	[sflag:s23] =	ssyncset.done $0x0  }
0xc9: {  	[sflag:s23] =	ssyncadd.s32 $0xFFFFD800  }
0xca: {  	[spmem:s2] =	stream.indirect.scatter.add.f32 [tilespmem:s19], [sflag:$0x4], $0x80, s1, s16, $0xb8;
	[tilespmem:$0x1FC00] =	vst v63  }
0xcb: {  	_ =	swait.ge [sflag:s14], $0x2800  }
0xcc: {  	s18 =	sadd.s32 $0x1, s18;
	[sflag:s14] =	ssyncset.done $0x0  }
0xcd: {  	p0 =	sne.s32 s18, s11;
	[sflag:s14] =	ssyncadd.s32 $0xFFFFD800  }
.Ltmp2:
0xce: {  	[bflag:$0x0] =	sbarrier.arrive $0xFFFF;
	(pc) =	sbr.rel @p0 .LBB2_1-.Ltmp2, $4  }
0xcf: {  	[hbm:s10], [sflag:s12] =	dma.local [spmem:s13], $0x2800  }
0xd0: {  	_ =	swait.ge [sflag:s14], $0x2800  }
0xd1: {  	[sflag:s14] =	ssyncset.done $0x0  }
0xd2: {  	[sflag:s14] =	ssyncadd.s32 $0xFFFFD800  }
0xd3: {  	_ =	sfence.sel $0x180000  }
0xd4: {  	[bflag:$0x0] =	sbarrier.arrive $0xFFFF  }
0xd5: {  	_ =	strace $0x9000004A  }
0xd6: {  	s0 =	stileid.u32;
	[bflag:$0x2] =	sbarrier.arrive $0xFFFF  }
0xd7: {  	p0 =	sne.s32 s0, $0x0;
	s0 =	rddreg [dreg:$0x3]  }
0xd8: {  	s0 =	sadd.s32 @!p0 $0x100000, s0  }
0xd9: {  	[sflag:s0] =	ssyncadd.tile.s32 @!p0 $0x1;
	_ =	shalt  }
.Lfunc_end2:
_tile_overlayer_lowered:
.L_overlay_start_2:
0xda: {  	(tag) =	ssettag $0x2  }
0xdb: {  	s0 =	rddreg [dreg:$0x0];
	s2 =	stileid.u32  }
0xdc: {  	s1 =	rddreg [dreg:$0x1];
	p0 =	sne.s32 s2, $0x0  }
0xdd: {  	s3 =	rddreg [dreg:$0x2];
	[bflag:$0x3] =	sbarrier.arrive $0xFFFF;
	s2 =	simm.s32 @!p0 $0x1C04  }
0xde: {  	[timem:s3], [sflag:s2] =	dma.local @!p0 [hbm:s0], s1  }
0xdf: {  	s0 =	simm.s32 @!p0 $0x4  }
0xe0: {  	_ =	swait.ge @!p0 [sflag:s0], s1  }
0xe1: {  	s1 =	ssub.s32 @!p0 $0x0, s1;
	[sflag:s0] =	ssyncset.done @!p0 $0x0  }
0xe2: {  	[sflag:s0] =	ssyncadd.s32 @!p0 s1  }
0xe3: {  	[bflag:$0x3] =	sbarrier.arrive $0xFFFF  }
0xe4: {  	_ =	shalt  }

</sc_bundles>
